<compile_context>
chip_gen: v7x
topology: tpu7x:2x2x1
jax: 0.10.2.dev20260603
libtpu: 0.0.44.dev20260713+nightly
codegen_flags: <defaults>
</compile_context>

<pallas_src>
import functools

import jax
import jax.numpy as jnp
from jax import lax
from jax.experimental import pallas as pl
from jax.experimental.pallas import tpu as pltpu
from jax.experimental.pallas import tpu_sc as plsc

N = 10000
D = 128
E = 320000
LANES = 128
CW = 128
EROWS = 2560
NC, NS = 2, 16
RA = EROWS // (NC * NS)
DEGR = 80
NAGG = 10240
SLICE = NAGG // NS
DEGS = 8
BR = 1024

_MESH = dict(core_axis_name="c", subcore_axis_name="s", num_cores=NC,
             num_subcores=NS)


def _deg_body(dst_hbm, deg_hbm, dstv, part1, part, rowidx, zb, sdeg):
    c = lax.axis_index("c")
    s = lax.axis_index("s")
    w = c * NS + s
    z16 = jnp.zeros((16,), jnp.float32)
    ones = jnp.ones((16,), jnp.float32)

    def z1(i, _):
        part1[pl.ds(i * 16, 16)] = z16
        return 0
    lax.fori_loop(0, DEGR * LANES // 16, z1, 0)

    pltpu.sync_copy(dst_hbm.at[pl.ds(w * RA, RA)], dstv)

    def hr(r, _):
        def hk(k, _):
            idx = dstv[r, pl.ds(k * 16, 16)]
            plsc.addupdate_scatter(part1, [idx], ones)
            return 0
        return lax.fori_loop(0, CW // 16, hk, 0)
    lax.fori_loop(0, RA, hr, 0)

    def cr(r, _):
        def ck(k, _):
            part[r, pl.ds(k * 16, 16)] = part1[pl.ds(r * LANES + k * 16, 16)]
            return 0
        return lax.fori_loop(0, LANES // 16, ck, 0)
    lax.fori_loop(0, DEGR, cr, 0)

    def zz(i, _):
        def zzk(k, _):
            zb[i, pl.ds(k * 16, 16)] = z16
            return 0
        return lax.fori_loop(0, LANES // 16, zzk, 0)
    lax.fori_loop(0, DEGS, zz, 0)

    @pl.when(s < DEGR // DEGS)
    def _():
        pltpu.sync_copy(zb, sdeg.at[pl.ds(s * DEGS, DEGS)])

    iota = lax.iota(jnp.int32, 16)

    def ri(i, _):
        rowidx[pl.ds(i * 16, 16)] = iota + i * 16
        return 0
    lax.fori_loop(0, DEGR // 16, ri, 0)

    plsc.subcore_barrier()
    pltpu.sync_copy(part, sdeg.at[rowidx], add=True)
    plsc.subcore_barrier()

    @pl.when(s < DEGR // DEGS)
    def _():
        pltpu.sync_copy(sdeg.at[pl.ds(s * DEGS, DEGS)], zb)
        pltpu.sync_copy(zb, deg_hbm.at[c, pl.ds(s * DEGS, DEGS)])


_deg_call = pl.kernel(
    _deg_body,
    out_type=jax.ShapeDtypeStruct((NC, DEGR, LANES), jnp.float32),
    mesh=plsc.VectorSubcoreMesh(**_MESH),
    scratch_types=[
        pltpu.VMEM((RA, CW), jnp.int32),
        pltpu.VMEM((DEGR * LANES,), jnp.float32),
        pltpu.VMEM((DEGR, LANES), jnp.float32),
        pltpu.VMEM((DEGR,), jnp.int32),
        pltpu.VMEM((DEGS, LANES), jnp.float32),
        pltpu.VMEM_SHARED((DEGR, LANES), jnp.float32),
    ],
    compiler_params=pltpu.CompilerParams(
        needs_layout_passes=False, use_tc_tiling_on_sc=False),
)


def _agg_body(hhat_hbm, src_hbm, dst_hbm, agg_hbm, srcv, dstv, buf_a, buf_b,
              buf_c, zb, gsa, gsb, gsc, ssa, ssb, ssc, agg_sp):
    c = lax.axis_index("c")
    s = lax.axis_index("s")
    w = c * NS + s
    z32 = jnp.zeros((32,), jnp.bfloat16)

    def zr(r, _):
        def zk(k, _):
            zb[r, pl.ds(k * 32, 32)] = z32
            return 0
        return lax.fori_loop(0, LANES // 32, zk, 0)
    lax.fori_loop(0, DEGS, zr, 0)

    def zs(i, _):
        pltpu.sync_copy(zb, agg_sp.at[pl.ds(s * SLICE + i * DEGS, DEGS)])
        return 0
    lax.fori_loop(0, SLICE // DEGS, zs, 0)

    pltpu.sync_copy(src_hbm.at[pl.ds(w * RA, RA)], srcv)
    pltpu.sync_copy(dst_hbm.at[pl.ds(w * RA, RA)], dstv)

    plsc.subcore_barrier()

    def g_issue(j, buf, sem):
        pltpu.async_copy(hhat_hbm.at[srcv.at[j]], buf, sem)

    def g_wait(buf, sem):
        pltpu.make_async_copy(hhat_hbm.at[srcv.at[0]], buf, sem).wait()

    def s_issue(j, buf, sem):
        pltpu.async_copy(buf, agg_sp.at[dstv.at[j]], sem, add=True)

    def s_wait(buf, sem):
        pltpu.make_async_copy(buf, agg_sp.at[dstv.at[0]], sem).wait()

    def zc(r, _):
        def zk(k, _):
            buf_c[r, pl.ds(k * 32, 32)] = z32
            return 0
        return lax.fori_loop(0, D // 32, zk, 0)
    lax.fori_loop(0, CW, zc, 0)
    g_issue(0, buf_a, gsa)
    g_issue(1, buf_b, gsb)
    s_issue(0, buf_c, ssc)

    def step(i, _):
        c = 3 * i
        g_wait(buf_a, gsa)
        s_issue(c, buf_a, ssa)
        s_wait(buf_c, ssc)
        g_issue(c + 2, buf_c, gsc)
        g_wait(buf_b, gsb)
        s_issue(c + 1, buf_b, ssb)
        s_wait(buf_a, ssa)
        g_issue(c + 3, buf_a, gsa)
        g_wait(buf_c, gsc)
        s_issue(c + 2, buf_c, ssc)
        s_wait(buf_b, ssb)
        g_issue(jnp.minimum(c + 4, RA - 1), buf_b, gsb)
        return 0
    lax.fori_loop(0, RA // 3, step, 0)

    g_wait(buf_a, gsa)
    s_issue(RA - 2, buf_a, ssa)
    g_wait(buf_b, gsb)
    s_issue(RA - 1, buf_b, ssb)
    s_wait(buf_c, ssc)
    s_wait(buf_a, ssa)
    s_wait(buf_b, ssb)

    plsc.subcore_barrier()

    pltpu.sync_copy(agg_sp.at[pl.ds(s * SLICE, SLICE)],
                    agg_hbm.at[c, pl.ds(s * SLICE, SLICE)])


_agg_call = pl.kernel(
    _agg_body,
    out_type=jax.ShapeDtypeStruct((NC, NAGG, D), jnp.bfloat16),
    mesh=plsc.VectorSubcoreMesh(**_MESH),
    scratch_types=[
        pltpu.VMEM((RA, CW), jnp.int32),
        pltpu.VMEM((RA, CW), jnp.int32),
        pltpu.VMEM((CW, D), jnp.bfloat16),
        pltpu.VMEM((CW, D), jnp.bfloat16),
        pltpu.VMEM((CW, D), jnp.bfloat16),
        pltpu.VMEM((DEGS, D), jnp.bfloat16),
        pltpu.SemaphoreType.DMA,
        pltpu.SemaphoreType.DMA,
        pltpu.SemaphoreType.DMA,
        pltpu.SemaphoreType.DMA,
        pltpu.SemaphoreType.DMA,
        pltpu.SemaphoreType.DMA,
        pltpu.VMEM_SHARED((NAGG, D), jnp.bfloat16),
    ],
    compiler_params=pltpu.CompilerParams(
        needs_layout_passes=False, use_tc_tiling_on_sc=False),
)


def _slice_body(ei_ref, srcp_ref, dstp_ref):
    v = ei_ref[...]
    er = E // CW
    srcp_ref[pl.ds(0, er), :] = jnp.reshape(v[0], (er, CW))
    dstp_ref[pl.ds(0, er), :] = jnp.reshape(v[1], (er, CW))
    cyc = lax.broadcasted_iota(jnp.int32, (EROWS - er, CW), 1)
    srcp_ref[pl.ds(er, EROWS - er), :] = cyc
    dstp_ref[pl.ds(er, EROWS - er), :] = cyc + N


def _slice_call(ei):
    return pl.pallas_call(
        _slice_body,
        out_shape=[jax.ShapeDtypeStruct((EROWS, CW), jnp.int32),
                   jax.ShapeDtypeStruct((EROWS, CW), jnp.int32)],
    )(ei)


def _mm_body(x_ref, w_ref, dg_ref, out_ref):
    dinv = lax.rsqrt(dg_ref[0] + dg_ref[1] + 1.0)
    h = jnp.dot(x_ref[...], w_ref[...], preferred_element_type=jnp.float32)
    h3 = jnp.reshape(h, (BR // LANES, LANES, D))
    out_ref[...] = jnp.reshape(h3 * dinv[:, :, None], (BR, D)).astype(
        jnp.bfloat16)


def _mm_call(x, w, deg2):
    return pl.pallas_call(
        _mm_body,
        grid=(DEGR * LANES // BR,),
        in_specs=[
            pl.BlockSpec((BR, D), lambda i: (i, 0)),
            pl.BlockSpec((D, D), lambda i: (0, 0)),
            pl.BlockSpec((NC, BR // LANES, LANES), lambda i: (0, i, 0)),
        ],
        out_specs=pl.BlockSpec((BR, D), lambda i: (i, 0)),
        out_shape=jax.ShapeDtypeStruct((N, D), jnp.bfloat16),
    )(x, w, deg2)


def _ep_body(agg_ref, hh_ref, dg_ref, b_ref, out_ref):
    dinv = lax.rsqrt(dg_ref[0] + dg_ref[1] + 1.0)
    v = (agg_ref[0].astype(jnp.float32) + agg_ref[1].astype(jnp.float32)
         + hh_ref[...].astype(jnp.float32))
    v3 = jnp.reshape(v, (BR // LANES, LANES, D))
    v3 = v3 * dinv[:, :, None] + b_ref[0][None, None, :]
    out_ref[...] = jnp.maximum(jnp.reshape(v3, (BR, D)), 0.0)


def _ep_call(agg, hhat, deg2, b2):
    return pl.pallas_call(
        _ep_body,
        grid=(DEGR * LANES // BR,),
        in_specs=[
            pl.BlockSpec((NC, BR, D), lambda i: (0, i, 0)),
            pl.BlockSpec((BR, D), lambda i: (i, 0)),
            pl.BlockSpec((NC, BR // LANES, LANES), lambda i: (0, i, 0)),
            pl.BlockSpec((1, D), lambda i: (0, 0)),
        ],
        out_specs=pl.BlockSpec((BR, D), lambda i: (i, 0)),
        out_shape=jax.ShapeDtypeStruct((N, D), jnp.float32),
    )(agg, hhat, deg2, b2)


def kernel(x, edge_index, W, b):
    srcp, dstp = _slice_call(edge_index.astype(jnp.int32))
    deg2 = _deg_call(dstp)
    hhat = _mm_call(x, W, deg2)
    agg = _agg_call(hhat, srcp, dstp)
    return _ep_call(agg, hhat, deg2, b.reshape(1, D))

# --- scband reference (transcript-rebuilt; emitter-appended) ---
"""Pipeline reference for scband-layer-wise-ca-fo-gnn-5368709120477 (READ-ONLY COPY).

The authoritative reference and input builder live on the scoring server;
editing this copy changes nothing except your own understanding.
"""

import jax, jax.numpy as jnp
import numpy as np

N_NODES = 10000
D_IN = 128
D_OUT = 128
N_EDGES = 320000


def setup_inputs(seed: int = 0) -> dict:
    key = jax.random.key(seed)
    k1, k2, k3, k4 = jax.random.split(key, 4)
    x = jax.random.normal(k1, (N_NODES, D_IN), dtype=jnp.float32)
    edge_index = jax.random.randint(k2, (2, N_EDGES), 0, N_NODES, dtype=jnp.int64)
    # GCNConv weight (glorot-style) and bias
    W = jax.random.normal(k3, (D_IN, D_OUT), dtype=jnp.float32) * (1.0 / np.sqrt(D_IN))
    b = jnp.zeros((D_OUT,), dtype=jnp.float32)
    return {"x": x, "edge_index": edge_index, "W": W, "b": b}


def _gcn_conv(x, edge_index, W, b):
    # Faithful GCNConv: add self-loops, symmetric normalization, linear transform,
    # scatter-add aggregation over edges, then bias.
    N = x.shape[0]
    src = edge_index[0]
    dst = edge_index[1]
    loop = jnp.arange(N, dtype=src.dtype)
    src = jnp.concatenate([src, loop], axis=0)
    dst = jnp.concatenate([dst, loop], axis=0)
    deg = jnp.zeros((N,), dtype=x.dtype).at[dst].add(1.0)
    dinv = 1.0 / jnp.sqrt(jnp.clip(deg, 1.0))
    norm = dinv[src] * dinv[dst]
    h = x @ W
    msg = h[src] * norm[:, None]
    out = jnp.zeros((N, W.shape[1]), dtype=x.dtype).at[dst].add(msg)
    return out + b[None, :]


def reference(x, edge_index, W, b):
    # GNNCaFoBlock.forward: features = gnn_layer(x, edge_index); gnn_layer has no
    # 'activation' attribute, so F.relu is applied.
    features = _gcn_conv(x, edge_index, W, b)
    return jax.nn.relu(features)

if __name__ == "__main__":
    import jax
    _d = setup_inputs()
    print(jax.jit(kernel)(*tuple(_d.values())))

</pallas_src>

<mosaic_0001>
#map = affine_map<(d0, d1) -> (0, 0)>
#map1 = affine_map<(d0, d1) -> (0, 0, 0)>
module attributes {stable_mosaic.version = 14 : i64} {
  func.func @_agg_body(%arg0: i32, %arg1: i32, %arg2: memref<10000x128xbf16, #tpu.memory_space<hbm>>, %arg3: memref<2560x128xi32, #tpu.memory_space<hbm>>, %arg4: memref<2560x128xi32, #tpu.memory_space<hbm>>, %arg5: memref<2x10240x128xbf16, #tpu.memory_space<hbm>>, %arg6: memref<80x128xi32, #tpu.memory_space<vmem>>, %arg7: memref<80x128xi32, #tpu.memory_space<vmem>>, %arg8: memref<128x128xbf16, #tpu.memory_space<vmem>>, %arg9: memref<128x128xbf16, #tpu.memory_space<vmem>>, %arg10: memref<128x128xbf16, #tpu.memory_space<vmem>>, %arg11: memref<8x128xbf16, #tpu.memory_space<vmem>>, %arg12: memref<!tpu.dma_semaphore, #tpu.memory_space<semaphore_mem>>, %arg13: memref<!tpu.dma_semaphore, #tpu.memory_space<semaphore_mem>>, %arg14: memref<!tpu.dma_semaphore, #tpu.memory_space<semaphore_mem>>, %arg15: memref<!tpu.dma_semaphore, #tpu.memory_space<semaphore_mem>>, %arg16: memref<!tpu.dma_semaphore, #tpu.memory_space<semaphore_mem>>, %arg17: memref<!tpu.dma_semaphore, #tpu.memory_space<semaphore_mem>>, %arg18: memref<10240x128xbf16, #tpu.memory_space<vmem_shared>>) attributes {dimension_semantics = [#tpu.dimension_semantics<core_parallel>, #tpu.dimension_semantics<subcore_parallel>], iteration_bounds = array<i64: 2, 16>, scalar_prefetch = 0 : i64, scratch_operands = 13 : i64, tpu.core_type = #tpu.core_type<sc_vector_subcore>, window_params = [{transform_indices = #map}, {transform_indices = #map}, {transform_indices = #map}, {transform_indices = #map1}]} {
    %mul3A = arith.constant 16 : i32
    %mul3A_0 = arith.muli %arg0, %mul3A : i32
    %add3A = arith.addi %mul3A_0, %arg1 : i32
    %broadcast_in_dim3A = arith.constant 0.000000e+00 : bf16
    %broadcast_in_dim3A_1 = vector.broadcast %broadcast_in_dim3A : bf16 to vector<32xbf16>
    %scan3A = arith.constant 0 : i32
    %scan3A_2 = arith.constant 0 : i32
    %scan3A_3 = arith.constant 8 : i32
    %scan3A_4 = arith.addi %scan3A_2, %scan3A_3 : i32
    %scan3A_5 = arith.constant 1 : i32
    %scan3A_6 = scf.for %scan3A_106 = %scan3A_2 to %scan3A_4 step %scan3A_5 iter_args(%scan3A_107 = %scan3A) -> (i32)  : i32 {
      %scan3A_108 = arith.constant 0 : i32
      %scan3A_109 = arith.constant 0 : i32
      %scan3A_110 = arith.constant 4 : i32
      %scan3A_111 = arith.addi %scan3A_109, %scan3A_110 : i32
      %scan3A_112 = arith.constant 1 : i32
      %scan3A_113 = scf.for %scan3A_115 = %scan3A_109 to %scan3A_111 step %scan3A_112 iter_args(%scan3A_116 = %scan3A_108) -> (i32)  : i32 {
        %mul3A_117 = arith.constant 32 : i32
        %mul3A_118 = arith.muli %scan3A_115, %mul3A_117 : i32
        %swap3A = arith.index_cast %scan3A_106 : i32 to index
        %swap3A_119 = arith.index_cast %mul3A_118 : i32 to index
        %swap3A_120 = tpu.vector_load %arg11[%swap3A, %swap3A_119] {strides = array<i32>} : memref<8x128xbf16, #tpu.memory_space<vmem>>, vector<32xbf16>,
        tpu.vector_store %arg11[%swap3A, %swap3A_119], %broadcast_in_dim3A_1 {strides = array<i32>} : memref<8x128xbf16, #tpu.memory_space<vmem>>, vector<32xbf16>,
        %scan3A_121 = arith.constant 0 : i32
        scf.yield %scan3A_121 : i32
      }
      %scan3A_114 = arith.constant 4 : i32
      scf.yield %scan3A_113 : i32
    }
    %scan3A_7 = arith.constant 8 : i32
    %scan3A_8 = arith.constant 0 : i32
    %scan3A_9 = arith.constant 0 : i32
    %scan3A_10 = arith.constant 80 : i32
    %scan3A_11 = arith.addi %scan3A_9, %scan3A_10 : i32
    %scan3A_12 = arith.constant 1 : i32
    %scan3A_13 = scf.for %scan3A_106 = %scan3A_9 to %scan3A_11 step %scan3A_12 iter_args(%scan3A_107 = %scan3A_8) -> (i32)  : i32 {
      %mul3A_108 = arith.constant 640 : i32
      %mul3A_109 = arith.muli %arg1, %mul3A_108 : i32
      %mul3A_110 = arith.constant 8 : i32
      %mul3A_111 = arith.muli %scan3A_106, %mul3A_110 : i32
      %add3A_112 = arith.addi %mul3A_109, %mul3A_111 : i32
      "tpu.region"() ({
        %run_scoped3A = tpu.sem_alloc : memref<!tpu.dma_semaphore, #tpu.memory_space<semaphore_mem>>
        %dma_start3A_114 = arith.constant 0 : i32
        %dma_start3A_115 = tpu.memref_slice %arg18[%add3A_112, %dma_start3A_114] : memref<10240x128xbf16, #tpu.memory_space<vmem_shared>> -> memref<8x128xbf16, #tpu.memory_space<vmem_shared>>
        %dma_start3A_116 = arith.constant 0 : i32
        %dma_start3A_117 = tpu.memref_slice %arg18[%add3A_112, %dma_start3A_116] : memref<10240x128xbf16, #tpu.memory_space<vmem_shared>> -> memref<8x128xbf16, #tpu.memory_space<vmem_shared>>
        tpu.enqueue_dma source(%arg11 : memref<8x128xbf16, #tpu.memory_space<vmem>>) target(%dma_start3A_117 : memref<8x128xbf16, #tpu.memory_space<vmem_shared>>) target_semaphore(%run_scoped3A : memref<!tpu.dma_semaphore, #tpu.memory_space<semaphore_mem>>)
        %dma_wait3A_118 = arith.constant 0 : i32
        %dma_wait3A_119 = tpu.memref_slice %arg18[%add3A_112, %dma_wait3A_118] : memref<10240x128xbf16, #tpu.memory_space<vmem_shared>> -> memref<8x128xbf16, #tpu.memory_space<vmem_shared>>
        %dma_wait3A_120 = arith.constant 0 : i32
        %dma_wait3A_121 = tpu.memref_slice %arg18[%add3A_112, %dma_wait3A_120] : memref<10240x128xbf16, #tpu.memory_space<vmem_shared>> -> memref<8x128xbf16, #tpu.memory_space<vmem_shared>>
        tpu.wait_dma2 semaphore(%run_scoped3A : memref<!tpu.dma_semaphore, #tpu.memory_space<semaphore_mem>>) src(%arg11 : memref<8x128xbf16, #tpu.memory_space<vmem>>) dst(%dma_wait3A_121 : memref<8x128xbf16, #tpu.memory_space<vmem_shared>>)
        tpu.yield
      }) : () -> ()
      %scan3A_113 = arith.constant 0 : i32
      scf.yield %scan3A_113 : i32
    }
    %scan3A_14 = arith.constant 80 : i32
    %mul3A_15 = arith.constant 80 : i32
    %mul3A_16 = arith.muli %add3A, %mul3A_15 : i32
    "tpu.region"() ({
      %run_scoped3A = tpu.sem_alloc : memref<!tpu.dma_semaphore, #tpu.memory_space<semaphore_mem>>
      %dma_start3A_106 = arith.constant 0 : i32
      %dma_start3A_107 = tpu.memref_slice %arg3[%mul3A_16, %dma_start3A_106] : memref<2560x128xi32, #tpu.memory_space<hbm>> -> memref<80x128xi32, #tpu.memory_space<hbm>>
      %dma_start3A_108 = arith.constant 0 : i32
      %dma_start3A_109 = tpu.memref_slice %arg3[%mul3A_16, %dma_start3A_108] : memref<2560x128xi32, #tpu.memory_space<hbm>> -> memref<80x128xi32, #tpu.memory_space<hbm>>
      tpu.enqueue_dma source(%dma_start3A_109 : memref<80x128xi32, #tpu.memory_space<hbm>>) target(%arg6 : memref<80x128xi32, #tpu.memory_space<vmem>>) target_semaphore(%run_scoped3A : memref<!tpu.dma_semaphore, #tpu.memory_space<semaphore_mem>>)
      %dma_wait3A_110 = arith.constant 0 : i32
      %dma_wait3A_111 = tpu.memref_slice %arg3[%mul3A_16, %dma_wait3A_110] : memref<2560x128xi32, #tpu.memory_space<hbm>> -> memref<80x128xi32, #tpu.memory_space<hbm>>
      %dma_wait3A_112 = arith.constant 0 : i32
      %dma_wait3A_113 = tpu.memref_slice %arg3[%mul3A_16, %dma_wait3A_112] : memref<2560x128xi32, #tpu.memory_space<hbm>> -> memref<80x128xi32, #tpu.memory_space<hbm>>
      tpu.wait_dma2 semaphore(%run_scoped3A : memref<!tpu.dma_semaphore, #tpu.memory_space<semaphore_mem>>) src(%dma_wait3A_113 : memref<80x128xi32, #tpu.memory_space<hbm>>) dst(%arg6 : memref<80x128xi32, #tpu.memory_space<vmem>>)
      tpu.yield
    }) : () -> ()
    %mul3A_17 = arith.constant 80 : i32
    %mul3A_18 = arith.muli %add3A, %mul3A_17 : i32
    "tpu.region"() ({
      %run_scoped3A = tpu.sem_alloc : memref<!tpu.dma_semaphore, #tpu.memory_space<semaphore_mem>>
      %dma_start3A_106 = arith.constant 0 : i32
      %dma_start3A_107 = tpu.memref_slice %arg4[%mul3A_18, %dma_start3A_106] : memref<2560x128xi32, #tpu.memory_space<hbm>> -> memref<80x128xi32, #tpu.memory_space<hbm>>
      %dma_start3A_108 = arith.constant 0 : i32
      %dma_start3A_109 = tpu.memref_slice %arg4[%mul3A_18, %dma_start3A_108] : memref<2560x128xi32, #tpu.memory_space<hbm>> -> memref<80x128xi32, #tpu.memory_space<hbm>>
      tpu.enqueue_dma source(%dma_start3A_109 : memref<80x128xi32, #tpu.memory_space<hbm>>) target(%arg7 : memref<80x128xi32, #tpu.memory_space<vmem>>) target_semaphore(%run_scoped3A : memref<!tpu.dma_semaphore, #tpu.memory_space<semaphore_mem>>)
      %dma_wait3A_110 = arith.constant 0 : i32
      %dma_wait3A_111 = tpu.memref_slice %arg4[%mul3A_18, %dma_wait3A_110] : memref<2560x128xi32, #tpu.memory_space<hbm>> -> memref<80x128xi32, #tpu.memory_space<hbm>>
      %dma_wait3A_112 = arith.constant 0 : i32
      %dma_wait3A_113 = tpu.memref_slice %arg4[%mul3A_18, %dma_wait3A_112] : memref<2560x128xi32, #tpu.memory_space<hbm>> -> memref<80x128xi32, #tpu.memory_space<hbm>>
      tpu.wait_dma2 semaphore(%run_scoped3A : memref<!tpu.dma_semaphore, #tpu.memory_space<semaphore_mem>>) src(%dma_wait3A_113 : memref<80x128xi32, #tpu.memory_space<hbm>>) dst(%arg7 : memref<80x128xi32, #tpu.memory_space<vmem>>)
      tpu.yield
    }) : () -> ()
    %barrier3A = arith.constant 0 : index
    tpu.barrier barrier_id(%barrier3A)
    %scan3A_19 = arith.constant 0 : i32
    %scan3A_20 = arith.constant 0 : i32
    %scan3A_21 = arith.constant 128 : i32
    %scan3A_22 = arith.addi %scan3A_20, %scan3A_21 : i32
    %scan3A_23 = arith.constant 1 : i32
    %scan3A_24 = scf.for %scan3A_106 = %scan3A_20 to %scan3A_22 step %scan3A_23 iter_args(%scan3A_107 = %scan3A_19) -> (i32)  : i32 {
      %scan3A_108 = arith.constant 0 : i32
      %scan3A_109 = arith.constant 0 : i32
      %scan3A_110 = arith.constant 4 : i32
      %scan3A_111 = arith.addi %scan3A_109, %scan3A_110 : i32
      %scan3A_112 = arith.constant 1 : i32
      %scan3A_113 = scf.for %scan3A_115 = %scan3A_109 to %scan3A_111 step %scan3A_112 iter_args(%scan3A_116 = %scan3A_108) -> (i32)  : i32 {
        %mul3A_117 = arith.constant 32 : i32
        %mul3A_118 = arith.muli %scan3A_115, %mul3A_117 : i32
        %swap3A = arith.index_cast %scan3A_106 : i32 to index
        %swap3A_119 = arith.index_cast %mul3A_118 : i32 to index
        %swap3A_120 = tpu.vector_load %arg10[%swap3A, %swap3A_119] {strides = array<i32>} : memref<128x128xbf16, #tpu.memory_space<vmem>>, vector<32xbf16>,
        tpu.vector_store %arg10[%swap3A, %swap3A_119], %broadcast_in_dim3A_1 {strides = array<i32>} : memref<128x128xbf16, #tpu.memory_space<vmem>>, vector<32xbf16>,
        %scan3A_121 = arith.constant 0 : i32
        scf.yield %scan3A_121 : i32
      }
      %scan3A_114 = arith.constant 4 : i32
      scf.yield %scan3A_113 : i32
    }
    %scan3A_25 = arith.constant 128 : i32
    %dma_start3A = arith.constant 0 : i32
    %dma_start3A_26 = arith.constant 0 : i32
    %dma_start3A_27 = tpu.memref_slice %arg6[%dma_start3A, %dma_start3A_26] : memref<80x128xi32, #tpu.memory_space<vmem>> -> memref<1x128xi32, #tpu.memory_space<vmem>>
    %dma_start3A_28 = tpu.memref_squeeze %dma_start3A_27 : memref<1x128xi32, #tpu.memory_space<vmem>> -> memref<128xi32, #tpu.memory_space<vmem>>
    %dma_start3A_29 = arith.constant 0 : i32
    %dma_start3A_30 = arith.constant 0 : i32
    %dma_start3A_31 = tpu.memref_slice %arg2[%dma_start3A_29, %dma_start3A_30] : memref<10000x128xbf16, #tpu.memory_space<hbm>> -> memref<10000x128xbf16, #tpu.memory_space<hbm>>
    tpu.enqueue_indirect_dma source(%dma_start3A_31 : memref<10000x128xbf16, #tpu.memory_space<hbm>>) target(%arg8 : memref<128x128xbf16, #tpu.memory_space<vmem>>) offsets(%dma_start3A_28 : memref<128xi32, #tpu.memory_space<vmem>>) semaphore(%arg12 : memref<!tpu.dma_semaphore, #tpu.memory_space<semaphore_mem>>)
    %dma_start3A_32 = arith.constant 1 : i32
    %dma_start3A_33 = arith.constant 0 : i32
    %dma_start3A_34 = tpu.memref_slice %arg6[%dma_start3A_32, %dma_start3A_33] : memref<80x128xi32, #tpu.memory_space<vmem>> -> memref<1x128xi32, #tpu.memory_space<vmem>>
    %dma_start3A_35 = tpu.memref_squeeze %dma_start3A_34 : memref<1x128xi32, #tpu.memory_space<vmem>> -> memref<128xi32, #tpu.memory_space<vmem>>
    %dma_start3A_36 = arith.constant 0 : i32
    %dma_start3A_37 = arith.constant 0 : i32
    %dma_start3A_38 = tpu.memref_slice %arg2[%dma_start3A_36, %dma_start3A_37] : memref<10000x128xbf16, #tpu.memory_space<hbm>> -> memref<10000x128xbf16, #tpu.memory_space<hbm>>
    tpu.enqueue_indirect_dma source(%dma_start3A_38 : memref<10000x128xbf16, #tpu.memory_space<hbm>>) target(%arg9 : memref<128x128xbf16, #tpu.memory_space<vmem>>) offsets(%dma_start3A_35 : memref<128xi32, #tpu.memory_space<vmem>>) semaphore(%arg13 : memref<!tpu.dma_semaphore, #tpu.memory_space<semaphore_mem>>)
    %dma_start3A_39 = arith.constant 0 : i32
    %dma_start3A_40 = arith.constant 0 : i32
    %dma_start3A_41 = tpu.memref_slice %arg7[%dma_start3A_39, %dma_start3A_40] : memref<80x128xi32, #tpu.memory_space<vmem>> -> memref<1x128xi32, #tpu.memory_space<vmem>>
    %dma_start3A_42 = tpu.memref_squeeze %dma_start3A_41 : memref<1x128xi32, #tpu.memory_space<vmem>> -> memref<128xi32, #tpu.memory_space<vmem>>
    %dma_start3A_43 = arith.constant 0 : i32
    %dma_start3A_44 = arith.constant 0 : i32
    %dma_start3A_45 = tpu.memref_slice %arg18[%dma_start3A_43, %dma_start3A_44] : memref<10240x128xbf16, #tpu.memory_space<vmem_shared>> -> memref<10240x128xbf16, #tpu.memory_space<vmem_shared>>
    tpu.enqueue_indirect_dma source(%arg10 : memref<128x128xbf16, #tpu.memory_space<vmem>>) target(%dma_start3A_45 : memref<10240x128xbf16, #tpu.memory_space<vmem_shared>>) offsets(%dma_start3A_42 : memref<128xi32, #tpu.memory_space<vmem>>) semaphore(%arg17 : memref<!tpu.dma_semaphore, #tpu.memory_space<semaphore_mem>>) {add = true}
    %scan3A_46 = arith.constant 0 : i32
    %scan3A_47 = arith.constant 0 : i32
    %scan3A_48 = arith.constant 26 : i32
    %scan3A_49 = arith.addi %scan3A_47, %scan3A_48 : i32
    %scan3A_50 = arith.constant 1 : i32
    %scan3A_51 = scf.for %scan3A_106 = %scan3A_47 to %scan3A_49 step %scan3A_50 iter_args(%scan3A_107 = %scan3A_46) -> (i32)  : i32 {
      %mul3A_108 = arith.constant 3 : i32
      %mul3A_109 = arith.muli %mul3A_108, %scan3A_106 : i32
      %dma_wait3A_110 = arith.constant 0 : i32
      %dma_wait3A_111 = arith.constant 0 : i32
      %dma_wait3A_112 = tpu.memref_slice %arg6[%dma_wait3A_110, %dma_wait3A_111] : memref<80x128xi32, #tpu.memory_space<vmem>> -> memref<1x128xi32, #tpu.memory_space<vmem>>
      %dma_wait3A_113 = tpu.memref_squeeze %dma_wait3A_112 : memref<1x128xi32, #tpu.memory_space<vmem>> -> memref<128xi32, #tpu.memory_space<vmem>>
      %dma_wait3A_114 = arith.constant 0 : i32
      %dma_wait3A_115 = arith.constant 0 : i32
      %dma_wait3A_116 = tpu.memref_slice %arg2[%dma_wait3A_114, %dma_wait3A_115] : memref<10000x128xbf16, #tpu.memory_space<hbm>> -> memref<10000x128xbf16, #tpu.memory_space<hbm>>
      tpu.wait_indirect_dma semaphore(%arg12 : memref<!tpu.dma_semaphore, #tpu.memory_space<semaphore_mem>>) src(%dma_wait3A_116 : memref<10000x128xbf16, #tpu.memory_space<hbm>>) dst(%arg8 : memref<128x128xbf16, #tpu.memory_space<vmem>>)
      %dma_start3A_117 = arith.constant 0 : i32
      %dma_start3A_118 = tpu.memref_slice %arg7[%mul3A_109, %dma_start3A_117] : memref<80x128xi32, #tpu.memory_space<vmem>> -> memref<1x128xi32, #tpu.memory_space<vmem>>
      %dma_start3A_119 = tpu.memref_squeeze %dma_start3A_118 : memref<1x128xi32, #tpu.memory_space<vmem>> -> memref<128xi32, #tpu.memory_space<vmem>>
      %dma_start3A_120 = arith.constant 0 : i32
      %dma_start3A_121 = arith.constant 0 : i32
      %dma_start3A_122 = tpu.memref_slice %arg18[%dma_start3A_120, %dma_start3A_121] : memref<10240x128xbf16, #tpu.memory_space<vmem_shared>> -> memref<10240x128xbf16, #tpu.memory_space<vmem_shared>>
      tpu.enqueue_indirect_dma source(%arg8 : memref<128x128xbf16, #tpu.memory_space<vmem>>) target(%dma_start3A_122 : memref<10240x128xbf16, #tpu.memory_space<vmem_shared>>) offsets(%dma_start3A_119 : memref<128xi32, #tpu.memory_space<vmem>>) semaphore(%arg15 : memref<!tpu.dma_semaphore, #tpu.memory_space<semaphore_mem>>) {add = true}
      %dma_wait3A_123 = arith.constant 0 : i32
      %dma_wait3A_124 = arith.constant 0 : i32
      %dma_wait3A_125 = tpu.memref_slice %arg7[%dma_wait3A_123, %dma_wait3A_124] : memref<80x128xi32, #tpu.memory_space<vmem>> -> memref<1x128xi32, #tpu.memory_space<vmem>>
      %dma_wait3A_126 = tpu.memref_squeeze %dma_wait3A_125 : memref<1x128xi32, #tpu.memory_space<vmem>> -> memref<128xi32, #tpu.memory_space<vmem>>
      %dma_wait3A_127 = arith.constant 0 : i32
      %dma_wait3A_128 = arith.constant 0 : i32
      %dma_wait3A_129 = tpu.memref_slice %arg18[%dma_wait3A_127, %dma_wait3A_128] : memref<10240x128xbf16, #tpu.memory_space<vmem_shared>> -> memref<10240x128xbf16, #tpu.memory_space<vmem_shared>>
      tpu.wait_indirect_dma semaphore(%arg17 : memref<!tpu.dma_semaphore, #tpu.memory_space<semaphore_mem>>) src(%arg10 : memref<128x128xbf16, #tpu.memory_space<vmem>>) dst(%dma_wait3A_129 : memref<10240x128xbf16, #tpu.memory_space<vmem_shared>>)
      %add3A_130 = arith.constant 2 : i32
      %add3A_131 = arith.addi %mul3A_109, %add3A_130 : i32
      %dma_start3A_132 = arith.constant 0 : i32
      %dma_start3A_133 = tpu.memref_slice %arg6[%add3A_131, %dma_start3A_132] : memref<80x128xi32, #tpu.memory_space<vmem>> -> memref<1x128xi32, #tpu.memory_space<vmem>>
      %dma_start3A_134 = tpu.memref_squeeze %dma_start3A_133 : memref<1x128xi32, #tpu.memory_space<vmem>> -> memref<128xi32, #tpu.memory_space<vmem>>
      %dma_start3A_135 = arith.constant 0 : i32
      %dma_start3A_136 = arith.constant 0 : i32
      %dma_start3A_137 = tpu.memref_slice %arg2[%dma_start3A_135, %dma_start3A_136] : memref<10000x128xbf16, #tpu.memory_space<hbm>> -> memref<10000x128xbf16, #tpu.memory_space<hbm>>
      tpu.enqueue_indirect_dma source(%dma_start3A_137 : memref<10000x128xbf16, #tpu.memory_space<hbm>>) target(%arg10 : memref<128x128xbf16, #tpu.memory_space<vmem>>) offsets(%dma_start3A_134 : memref<128xi32, #tpu.memory_space<vmem>>) semaphore(%arg14 : memref<!tpu.dma_semaphore, #tpu.memory_space<semaphore_mem>>)
      %dma_wait3A_138 = arith.constant 0 : i32
      %dma_wait3A_139 = arith.constant 0 : i32
      %dma_wait3A_140 = tpu.memref_slice %arg6[%dma_wait3A_138, %dma_wait3A_139] : memref<80x128xi32, #tpu.memory_space<vmem>> -> memref<1x128xi32, #tpu.memory_space<vmem>>
      %dma_wait3A_141 = tpu.memref_squeeze %dma_wait3A_140 : memref<1x128xi32, #tpu.memory_space<vmem>> -> memref<128xi32, #tpu.memory_space<vmem>>
      %dma_wait3A_142 = arith.constant 0 : i32
      %dma_wait3A_143 = arith.constant 0 : i32
      %dma_wait3A_144 = tpu.memref_slice %arg2[%dma_wait3A_142, %dma_wait3A_143] : memref<10000x128xbf16, #tpu.memory_space<hbm>> -> memref<10000x128xbf16, #tpu.memory_space<hbm>>
      tpu.wait_indirect_dma semaphore(%arg13 : memref<!tpu.dma_semaphore, #tpu.memory_space<semaphore_mem>>) src(%dma_wait3A_144 : memref<10000x128xbf16, #tpu.memory_space<hbm>>) dst(%arg9 : memref<128x128xbf16, #tpu.memory_space<vmem>>)
      %add3A_145 = arith.constant 1 : i32
      %add3A_146 = arith.addi %mul3A_109, %add3A_145 : i32
      %dma_start3A_147 = arith.constant 0 : i32
      %dma_start3A_148 = tpu.memref_slice %arg7[%add3A_146, %dma_start3A_147] : memref<80x128xi32, #tpu.memory_space<vmem>> -> memref<1x128xi32, #tpu.memory_space<vmem>>
      %dma_start3A_149 = tpu.memref_squeeze %dma_start3A_148 : memref<1x128xi32, #tpu.memory_space<vmem>> -> memref<128xi32, #tpu.memory_space<vmem>>
      %dma_start3A_150 = arith.constant 0 : i32
      %dma_start3A_151 = arith.constant 0 : i32
      %dma_start3A_152 = tpu.memref_slice %arg18[%dma_start3A_150, %dma_start3A_151] : memref<10240x128xbf16, #tpu.memory_space<vmem_shared>> -> memref<10240x128xbf16, #tpu.memory_space<vmem_shared>>
      tpu.enqueue_indirect_dma source(%arg9 : memref<128x128xbf16, #tpu.memory_space<vmem>>) target(%dma_start3A_152 : memref<10240x128xbf16, #tpu.memory_space<vmem_shared>>) offsets(%dma_start3A_149 : memref<128xi32, #tpu.memory_space<vmem>>) semaphore(%arg16 : memref<!tpu.dma_semaphore, #tpu.memory_space<semaphore_mem>>) {add = true}
      %dma_wait3A_153 = arith.constant 0 : i32
      %dma_wait3A_154 = arith.constant 0 : i32
      %dma_wait3A_155 = tpu.memref_slice %arg7[%dma_wait3A_153, %dma_wait3A_154] : memref<80x128xi32, #tpu.memory_space<vmem>> -> memref<1x128xi32, #tpu.memory_space<vmem>>
      %dma_wait3A_156 = tpu.memref_squeeze %dma_wait3A_155 : memref<1x128xi32, #tpu.memory_space<vmem>> -> memref<128xi32, #tpu.memory_space<vmem>>
      %dma_wait3A_157 = arith.constant 0 : i32
      %dma_wait3A_158 = arith.constant 0 : i32
      %dma_wait3A_159 = tpu.memref_slice %arg18[%dma_wait3A_157, %dma_wait3A_158] : memref<10240x128xbf16, #tpu.memory_space<vmem_shared>> -> memref<10240x128xbf16, #tpu.memory_space<vmem_shared>>
      tpu.wait_indirect_dma semaphore(%arg15 : memref<!tpu.dma_semaphore, #tpu.memory_space<semaphore_mem>>) src(%arg8 : memref<128x128xbf16, #tpu.memory_space<vmem>>) dst(%dma_wait3A_159 : memref<10240x128xbf16, #tpu.memory_space<vmem_shared>>)
      %add3A_160 = arith.constant 3 : i32
      %add3A_161 = arith.addi %mul3A_109, %add3A_160 : i32
      %dma_start3A_162 = arith.constant 0 : i32
      %dma_start3A_163 = tpu.memref_slice %arg6[%add3A_161, %dma_start3A_162] : memref<80x128xi32, #tpu.memory_space<vmem>> -> memref<1x128xi32, #tpu.memory_space<vmem>>
      %dma_start3A_164 = tpu.memref_squeeze %dma_start3A_163 : memref<1x128xi32, #tpu.memory_space<vmem>> -> memref<128xi32, #tpu.memory_space<vmem>>
      %dma_start3A_165 = arith.constant 0 : i32
      %dma_start3A_166 = arith.constant 0 : i32
      %dma_start3A_167 = tpu.memref_slice %arg2[%dma_start3A_165, %dma_start3A_166] : memref<10000x128xbf16, #tpu.memory_space<hbm>> -> memref<10000x128xbf16, #tpu.memory_space<hbm>>
      tpu.enqueue_indirect_dma source(%dma_start3A_167 : memref<10000x128xbf16, #tpu.memory_space<hbm>>) target(%arg8 : memref<128x128xbf16, #tpu.memory_space<vmem>>) offsets(%dma_start3A_164 : memref<128xi32, #tpu.memory_space<vmem>>) semaphore(%arg12 : memref<!tpu.dma_semaphore, #tpu.memory_space<semaphore_mem>>)
      %dma_wait3A_168 = arith.constant 0 : i32
      %dma_wait3A_169 = arith.constant 0 : i32
      %dma_wait3A_170 = tpu.memref_slice %arg6[%dma_wait3A_168, %dma_wait3A_169] : memref<80x128xi32, #tpu.memory_space<vmem>> -> memref<1x128xi32, #tpu.memory_space<vmem>>
      %dma_wait3A_171 = tpu.memref_squeeze %dma_wait3A_170 : memref<1x128xi32, #tpu.memory_space<vmem>> -> memref<128xi32, #tpu.memory_space<vmem>>
      %dma_wait3A_172 = arith.constant 0 : i32
      %dma_wait3A_173 = arith.constant 0 : i32
      %dma_wait3A_174 = tpu.memref_slice %arg2[%dma_wait3A_172, %dma_wait3A_173] : memref<10000x128xbf16, #tpu.memory_space<hbm>> -> memref<10000x128xbf16, #tpu.memory_space<hbm>>
      tpu.wait_indirect_dma semaphore(%arg14 : memref<!tpu.dma_semaphore, #tpu.memory_space<semaphore_mem>>) src(%dma_wait3A_174 : memref<10000x128xbf16, #tpu.memory_space<hbm>>) dst(%arg10 : memref<128x128xbf16, #tpu.memory_space<vmem>>)
      %add3A_175 = arith.constant 2 : i32
      %add3A_176 = arith.addi %mul3A_109, %add3A_175 : i32
      %dma_start3A_177 = arith.constant 0 : i32
      %dma_start3A_178 = tpu.memref_slice %arg7[%add3A_176, %dma_start3A_177] : memref<80x128xi32, #tpu.memory_space<vmem>> -> memref<1x128xi32, #tpu.memory_space<vmem>>
      %dma_start3A_179 = tpu.memref_squeeze %dma_start3A_178 : memref<1x128xi32, #tpu.memory_space<vmem>> -> memref<128xi32, #tpu.memory_space<vmem>>
      %dma_start3A_180 = arith.constant 0 : i32
      %dma_start3A_181 = arith.constant 0 : i32
      %dma_start3A_182 = tpu.memref_slice %arg18[%dma_start3A_180, %dma_start3A_181] : memref<10240x128xbf16, #tpu.memory_space<vmem_shared>> -> memref<10240x128xbf16, #tpu.memory_space<vmem_shared>>
      tpu.enqueue_indirect_dma source(%arg10 : memref<128x128xbf16, #tpu.memory_space<vmem>>) target(%dma_start3A_182 : memref<10240x128xbf16, #tpu.memory_space<vmem_shared>>) offsets(%dma_start3A_179 : memref<128xi32, #tpu.memory_space<vmem>>) semaphore(%arg17 : memref<!tpu.dma_semaphore, #tpu.memory_space<semaphore_mem>>) {add = true}
      %dma_wait3A_183 = arith.constant 0 : i32
      %dma_wait3A_184 = arith.constant 0 : i32
      %dma_wait3A_185 = tpu.memref_slice %arg7[%dma_wait3A_183, %dma_wait3A_184] : memref<80x128xi32, #tpu.memory_space<vmem>> -> memref<1x128xi32, #tpu.memory_space<vmem>>
      %dma_wait3A_186 = tpu.memref_squeeze %dma_wait3A_185 : memref<1x128xi32, #tpu.memory_space<vmem>> -> memref<128xi32, #tpu.memory_space<vmem>>
      %dma_wait3A_187 = arith.constant 0 : i32
      %dma_wait3A_188 = arith.constant 0 : i32
      %dma_wait3A_189 = tpu.memref_slice %arg18[%dma_wait3A_187, %dma_wait3A_188] : memref<10240x128xbf16, #tpu.memory_space<vmem_shared>> -> memref<10240x128xbf16, #tpu.memory_space<vmem_shared>>
      tpu.wait_indirect_dma semaphore(%arg16 : memref<!tpu.dma_semaphore, #tpu.memory_space<semaphore_mem>>) src(%arg9 : memref<128x128xbf16, #tpu.memory_space<vmem>>) dst(%dma_wait3A_189 : memref<10240x128xbf16, #tpu.memory_space<vmem_shared>>)
      %add3A_190 = arith.constant 4 : i32
      %add3A_191 = arith.addi %mul3A_109, %add3A_190 : i32
      %min3A = arith.constant 79 : i32
      %min3A_192 = arith.minsi %add3A_191, %min3A : i32
      %dma_start3A_193 = arith.constant 0 : i32
      %dma_start3A_194 = tpu.memref_slice %arg6[%min3A_192, %dma_start3A_193] : memref<80x128xi32, #tpu.memory_space<vmem>> -> memref<1x128xi32, #tpu.memory_space<vmem>>
      %dma_start3A_195 = tpu.memref_squeeze %dma_start3A_194 : memref<1x128xi32, #tpu.memory_space<vmem>> -> memref<128xi32, #tpu.memory_space<vmem>>
      %dma_start3A_196 = arith.constant 0 : i32
      %dma_start3A_197 = arith.constant 0 : i32
      %dma_start3A_198 = tpu.memref_slice %arg2[%dma_start3A_196, %dma_start3A_197] : memref<10000x128xbf16, #tpu.memory_space<hbm>> -> memref<10000x128xbf16, #tpu.memory_space<hbm>>
      tpu.enqueue_indirect_dma source(%dma_start3A_198 : memref<10000x128xbf16, #tpu.memory_space<hbm>>) target(%arg9 : memref<128x128xbf16, #tpu.memory_space<vmem>>) offsets(%dma_start3A_195 : memref<128xi32, #tpu.memory_space<vmem>>) semaphore(%arg13 : memref<!tpu.dma_semaphore, #tpu.memory_space<semaphore_mem>>)
      %scan3A_199 = arith.constant 0 : i32
      scf.yield %scan3A_199 : i32
    }
    %scan3A_52 = arith.constant 26 : i32
    %dma_wait3A = arith.constant 0 : i32
    %dma_wait3A_53 = arith.constant 0 : i32
    %dma_wait3A_54 = tpu.memref_slice %arg6[%dma_wait3A, %dma_wait3A_53] : memref<80x128xi32, #tpu.memory_space<vmem>> -> memref<1x128xi32, #tpu.memory_space<vmem>>
    %dma_wait3A_55 = tpu.memref_squeeze %dma_wait3A_54 : memref<1x128xi32, #tpu.memory_space<vmem>> -> memref<128xi32, #tpu.memory_space<vmem>>
    %dma_wait3A_56 = arith.constant 0 : i32
    %dma_wait3A_57 = arith.constant 0 : i32
    %dma_wait3A_58 = tpu.memref_slice %arg2[%dma_wait3A_56, %dma_wait3A_57] : memref<10000x128xbf16, #tpu.memory_space<hbm>> -> memref<10000x128xbf16, #tpu.memory_space<hbm>>
    tpu.wait_indirect_dma semaphore(%arg12 : memref<!tpu.dma_semaphore, #tpu.memory_space<semaphore_mem>>) src(%dma_wait3A_58 : memref<10000x128xbf16, #tpu.memory_space<hbm>>) dst(%arg8 : memref<128x128xbf16, #tpu.memory_space<vmem>>)
    %dma_start3A_59 = arith.constant 78 : i32
    %dma_start3A_60 = arith.constant 0 : i32
    %dma_start3A_61 = tpu.memref_slice %arg7[%dma_start3A_59, %dma_start3A_60] : memref<80x128xi32, #tpu.memory_space<vmem>> -> memref<1x128xi32, #tpu.memory_space<vmem>>
    %dma_start3A_62 = tpu.memref_squeeze %dma_start3A_61 : memref<1x128xi32, #tpu.memory_space<vmem>> -> memref<128xi32, #tpu.memory_space<vmem>>
    %dma_start3A_63 = arith.constant 0 : i32
    %dma_start3A_64 = arith.constant 0 : i32
    %dma_start3A_65 = tpu.memref_slice %arg18[%dma_start3A_63, %dma_start3A_64] : memref<10240x128xbf16, #tpu.memory_space<vmem_shared>> -> memref<10240x128xbf16, #tpu.memory_space<vmem_shared>>
    tpu.enqueue_indirect_dma source(%arg8 : memref<128x128xbf16, #tpu.memory_space<vmem>>) target(%dma_start3A_65 : memref<10240x128xbf16, #tpu.memory_space<vmem_shared>>) offsets(%dma_start3A_62 : memref<128xi32, #tpu.memory_space<vmem>>) semaphore(%arg15 : memref<!tpu.dma_semaphore, #tpu.memory_space<semaphore_mem>>) {add = true}
    %dma_wait3A_66 = arith.constant 0 : i32
    %dma_wait3A_67 = arith.constant 0 : i32
    %dma_wait3A_68 = tpu.memref_slice %arg6[%dma_wait3A_66, %dma_wait3A_67] : memref<80x128xi32, #tpu.memory_space<vmem>> -> memref<1x128xi32, #tpu.memory_space<vmem>>
    %dma_wait3A_69 = tpu.memref_squeeze %dma_wait3A_68 : memref<1x128xi32, #tpu.memory_space<vmem>> -> memref<128xi32, #tpu.memory_space<vmem>>
    %dma_wait3A_70 = arith.constant 0 : i32
    %dma_wait3A_71 = arith.constant 0 : i32
    %dma_wait3A_72 = tpu.memref_slice %arg2[%dma_wait3A_70, %dma_wait3A_71] : memref<10000x128xbf16, #tpu.memory_space<hbm>> -> memref<10000x128xbf16, #tpu.memory_space<hbm>>
    tpu.wait_indirect_dma semaphore(%arg13 : memref<!tpu.dma_semaphore, #tpu.memory_space<semaphore_mem>>) src(%dma_wait3A_72 : memref<10000x128xbf16, #tpu.memory_space<hbm>>) dst(%arg9 : memref<128x128xbf16, #tpu.memory_space<vmem>>)
    %dma_start3A_73 = arith.constant 79 : i32
    %dma_start3A_74 = arith.constant 0 : i32
    %dma_start3A_75 = tpu.memref_slice %arg7[%dma_start3A_73, %dma_start3A_74] : memref<80x128xi32, #tpu.memory_space<vmem>> -> memref<1x128xi32, #tpu.memory_space<vmem>>
    %dma_start3A_76 = tpu.memref_squeeze %dma_start3A_75 : memref<1x128xi32, #tpu.memory_space<vmem>> -> memref<128xi32, #tpu.memory_space<vmem>>
    %dma_start3A_77 = arith.constant 0 : i32
    %dma_start3A_78 = arith.constant 0 : i32
    %dma_start3A_79 = tpu.memref_slice %arg18[%dma_start3A_77, %dma_start3A_78] : memref<10240x128xbf16, #tpu.memory_space<vmem_shared>> -> memref<10240x128xbf16, #tpu.memory_space<vmem_shared>>
    tpu.enqueue_indirect_dma source(%arg9 : memref<128x128xbf16, #tpu.memory_space<vmem>>) target(%dma_start3A_79 : memref<10240x128xbf16, #tpu.memory_space<vmem_shared>>) offsets(%dma_start3A_76 : memref<128xi32, #tpu.memory_space<vmem>>) semaphore(%arg16 : memref<!tpu.dma_semaphore, #tpu.memory_space<semaphore_mem>>) {add = true}
    %dma_wait3A_80 = arith.constant 0 : i32
    %dma_wait3A_81 = arith.constant 0 : i32
    %dma_wait3A_82 = tpu.memref_slice %arg7[%dma_wait3A_80, %dma_wait3A_81] : memref<80x128xi32, #tpu.memory_space<vmem>> -> memref<1x128xi32, #tpu.memory_space<vmem>>
    %dma_wait3A_83 = tpu.memref_squeeze %dma_wait3A_82 : memref<1x128xi32, #tpu.memory_space<vmem>> -> memref<128xi32, #tpu.memory_space<vmem>>
    %dma_wait3A_84 = arith.constant 0 : i32
    %dma_wait3A_85 = arith.constant 0 : i32
    %dma_wait3A_86 = tpu.memref_slice %arg18[%dma_wait3A_84, %dma_wait3A_85] : memref<10240x128xbf16, #tpu.memory_space<vmem_shared>> -> memref<10240x128xbf16, #tpu.memory_space<vmem_shared>>
    tpu.wait_indirect_dma semaphore(%arg17 : memref<!tpu.dma_semaphore, #tpu.memory_space<semaphore_mem>>) src(%arg10 : memref<128x128xbf16, #tpu.memory_space<vmem>>) dst(%dma_wait3A_86 : memref<10240x128xbf16, #tpu.memory_space<vmem_shared>>)
    %dma_wait3A_87 = arith.constant 0 : i32
    %dma_wait3A_88 = arith.constant 0 : i32
    %dma_wait3A_89 = tpu.memref_slice %arg7[%dma_wait3A_87, %dma_wait3A_88] : memref<80x128xi32, #tpu.memory_space<vmem>> -> memref<1x128xi32, #tpu.memory_space<vmem>>
    %dma_wait3A_90 = tpu.memref_squeeze %dma_wait3A_89 : memref<1x128xi32, #tpu.memory_space<vmem>> -> memref<128xi32, #tpu.memory_space<vmem>>
    %dma_wait3A_91 = arith.constant 0 : i32
    %dma_wait3A_92 = arith.constant 0 : i32
    %dma_wait3A_93 = tpu.memref_slice %arg18[%dma_wait3A_91, %dma_wait3A_92] : memref<10240x128xbf16, #tpu.memory_space<vmem_shared>> -> memref<10240x128xbf16, #tpu.memory_space<vmem_shared>>
    tpu.wait_indirect_dma semaphore(%arg15 : memref<!tpu.dma_semaphore, #tpu.memory_space<semaphore_mem>>) src(%arg8 : memref<128x128xbf16, #tpu.memory_space<vmem>>) dst(%dma_wait3A_93 : memref<10240x128xbf16, #tpu.memory_space<vmem_shared>>)
    %dma_wait3A_94 = arith.constant 0 : i32
    %dma_wait3A_95 = arith.constant 0 : i32
    %dma_wait3A_96 = tpu.memref_slice %arg7[%dma_wait3A_94, %dma_wait3A_95] : memref<80x128xi32, #tpu.memory_space<vmem>> -> memref<1x128xi32, #tpu.memory_space<vmem>>
    %dma_wait3A_97 = tpu.memref_squeeze %dma_wait3A_96 : memref<1x128xi32, #tpu.memory_space<vmem>> -> memref<128xi32, #tpu.memory_space<vmem>>
    %dma_wait3A_98 = arith.constant 0 : i32
    %dma_wait3A_99 = arith.constant 0 : i32
    %dma_wait3A_100 = tpu.memref_slice %arg18[%dma_wait3A_98, %dma_wait3A_99] : memref<10240x128xbf16, #tpu.memory_space<vmem_shared>> -> memref<10240x128xbf16, #tpu.memory_space<vmem_shared>>
    tpu.wait_indirect_dma semaphore(%arg16 : memref<!tpu.dma_semaphore, #tpu.memory_space<semaphore_mem>>) src(%arg9 : memref<128x128xbf16, #tpu.memory_space<vmem>>) dst(%dma_wait3A_100 : memref<10240x128xbf16, #tpu.memory_space<vmem_shared>>)
    %barrier3A_101 = arith.constant 0 : index
    tpu.barrier barrier_id(%barrier3A_101)
    %mul3A_102 = arith.constant 640 : i32
    %mul3A_103 = arith.muli %arg1, %mul3A_102 : i32
    %mul3A_104 = arith.constant 640 : i32
    %mul3A_105 = arith.muli %arg1, %mul3A_104 : i32
    "tpu.region"() ({
      %run_scoped3A = tpu.sem_alloc : memref<!tpu.dma_semaphore, #tpu.memory_space<semaphore_mem>>
      %dma_start3A_106 = arith.constant 0 : i32
      %dma_start3A_107 = tpu.memref_slice %arg5[%arg0, %mul3A_105, %dma_start3A_106] : memref<2x10240x128xbf16, #tpu.memory_space<hbm>> -> memref<1x640x128xbf16, #tpu.memory_space<hbm>>
      %dma_start3A_108 = tpu.memref_squeeze %dma_start3A_107 : memref<1x640x128xbf16, #tpu.memory_space<hbm>> -> memref<640x128xbf16, #tpu.memory_space<hbm>>
      %dma_start3A_109 = arith.constant 0 : i32
      %dma_start3A_110 = tpu.memref_slice %arg18[%mul3A_103, %dma_start3A_109] : memref<10240x128xbf16, #tpu.memory_space<vmem_shared>> -> memref<640x128xbf16, #tpu.memory_space<vmem_shared>>
      tpu.enqueue_dma source(%dma_start3A_110 : memref<640x128xbf16, #tpu.memory_space<vmem_shared>>) target(%dma_start3A_108 : memref<640x128xbf16, #tpu.memory_space<hbm>>) target_semaphore(%run_scoped3A : memref<!tpu.dma_semaphore, #tpu.memory_space<semaphore_mem>>)
      %dma_wait3A_111 = arith.constant 0 : i32
      %dma_wait3A_112 = tpu.memref_slice %arg5[%arg0, %mul3A_105, %dma_wait3A_111] : memref<2x10240x128xbf16, #tpu.memory_space<hbm>> -> memref<1x640x128xbf16, #tpu.memory_space<hbm>>
      %dma_wait3A_113 = tpu.memref_squeeze %dma_wait3A_112 : memref<1x640x128xbf16, #tpu.memory_space<hbm>> -> memref<640x128xbf16, #tpu.memory_space<hbm>>
      %dma_wait3A_114 = arith.constant 0 : i32
      %dma_wait3A_115 = tpu.memref_slice %arg18[%mul3A_103, %dma_wait3A_114] : memref<10240x128xbf16, #tpu.memory_space<vmem_shared>> -> memref<640x128xbf16, #tpu.memory_space<vmem_shared>>
      tpu.wait_dma2 semaphore(%run_scoped3A : memref<!tpu.dma_semaphore, #tpu.memory_space<semaphore_mem>>) src(%dma_wait3A_115 : memref<640x128xbf16, #tpu.memory_space<vmem_shared>>) dst(%dma_wait3A_113 : memref<640x128xbf16, #tpu.memory_space<hbm>>)
      tpu.yield
    }) : () -> ()
    return
  }
}

#map = affine_map<(d0, d1) -> (0, 0)>
#map1 = affine_map<(d0, d1) -> (0, 0, 0)>
module attributes {stable_mosaic.version = 14 : i64} {
  func.func @_deg_body(%arg0: i32, %arg1: i32, %arg2: memref<2560x128xi32, #tpu.memory_space<hbm>>, %arg3: memref<2x80x128xf32, #tpu.memory_space<hbm>>, %arg4: memref<80x128xi32, #tpu.memory_space<vmem>>, %arg5: memref<10240xf32, #tpu.memory_space<vmem>>, %arg6: memref<80x128xf32, #tpu.memory_space<vmem>>, %arg7: memref<80xi32, #tpu.memory_space<vmem>>, %arg8: memref<8x128xf32, #tpu.memory_space<vmem>>, %arg9: memref<80x128xf32, #tpu.memory_space<vmem_shared>>) attributes {dimension_semantics = [#tpu.dimension_semantics<core_parallel>, #tpu.dimension_semantics<subcore_parallel>], iteration_bounds = array<i64: 2, 16>, scalar_prefetch = 0 : i64, scratch_operands = 6 : i64, tpu.core_type = #tpu.core_type<sc_vector_subcore>, window_params = [{transform_indices = #map}, {transform_indices = #map1}]} {
    %mul3A = arith.constant 16 : i32
    %mul3A_0 = arith.muli %arg0, %mul3A : i32
    %add3A = arith.addi %mul3A_0, %arg1 : i32
    %broadcast_in_dim3A = arith.constant 0.000000e+00 : f32
    %broadcast_in_dim3A_1 = vector.broadcast %broadcast_in_dim3A : f32 to vector<16xf32>
    %broadcast_in_dim3A_2 = arith.constant 1.000000e+00 : f32
    %broadcast_in_dim3A_3 = vector.broadcast %broadcast_in_dim3A_2 : f32 to vector<16xf32>
    %scan3A = arith.constant 0 : i32
    %scan3A_4 = arith.constant 0 : i32
    %scan3A_5 = arith.constant 640 : i32
    %scan3A_6 = arith.addi %scan3A_4, %scan3A_5 : i32
    %scan3A_7 = arith.constant 1 : i32
    %scan3A_8 = scf.for %scan3A_48 = %scan3A_4 to %scan3A_6 step %scan3A_7 iter_args(%scan3A_49 = %scan3A) -> (i32)  : i32 {
      %mul3A_50 = arith.constant 16 : i32
      %mul3A_51 = arith.muli %scan3A_48, %mul3A_50 : i32
      %swap3A = arith.index_cast %mul3A_51 : i32 to index
      %swap3A_52 = tpu.vector_load %arg5[%swap3A] {strides = array<i32>} : memref<10240xf32, #tpu.memory_space<vmem>>, vector<16xf32>,
      tpu.vector_store %arg5[%swap3A], %broadcast_in_dim3A_1 {strides = array<i32>} : memref<10240xf32, #tpu.memory_space<vmem>>, vector<16xf32>,
      %scan3A_53 = arith.constant 0 : i32
      scf.yield %scan3A_53 : i32
    }
    %scan3A_9 = arith.constant 640 : i32
    %mul3A_10 = arith.constant 80 : i32
    %mul3A_11 = arith.muli %add3A, %mul3A_10 : i32
    "tpu.region"() ({
      %run_scoped3A = tpu.sem_alloc : memref<!tpu.dma_semaphore, #tpu.memory_space<semaphore_mem>>
      %dma_start3A = arith.constant 0 : i32
      %dma_start3A_48 = tpu.memref_slice %arg2[%mul3A_11, %dma_start3A] : memref<2560x128xi32, #tpu.memory_space<hbm>> -> memref<80x128xi32, #tpu.memory_space<hbm>>
      %dma_start3A_49 = arith.constant 0 : i32
      %dma_start3A_50 = tpu.memref_slice %arg2[%mul3A_11, %dma_start3A_49] : memref<2560x128xi32, #tpu.memory_space<hbm>> -> memref<80x128xi32, #tpu.memory_space<hbm>>
      tpu.enqueue_dma source(%dma_start3A_50 : memref<80x128xi32, #tpu.memory_space<hbm>>) target(%arg4 : memref<80x128xi32, #tpu.memory_space<vmem>>) target_semaphore(%run_scoped3A : memref<!tpu.dma_semaphore, #tpu.memory_space<semaphore_mem>>)
      %dma_wait3A = arith.constant 0 : i32
      %dma_wait3A_51 = tpu.memref_slice %arg2[%mul3A_11, %dma_wait3A] : memref<2560x128xi32, #tpu.memory_space<hbm>> -> memref<80x128xi32, #tpu.memory_space<hbm>>
      %dma_wait3A_52 = arith.constant 0 : i32
      %dma_wait3A_53 = tpu.memref_slice %arg2[%mul3A_11, %dma_wait3A_52] : memref<2560x128xi32, #tpu.memory_space<hbm>> -> memref<80x128xi32, #tpu.memory_space<hbm>>
      tpu.wait_dma2 semaphore(%run_scoped3A : memref<!tpu.dma_semaphore, #tpu.memory_space<semaphore_mem>>) src(%dma_wait3A_53 : memref<80x128xi32, #tpu.memory_space<hbm>>) dst(%arg4 : memref<80x128xi32, #tpu.memory_space<vmem>>)
      tpu.yield
    }) : () -> ()
    %scan3A_12 = arith.constant 0 : i32
    %scan3A_13 = arith.constant 0 : i32
    %scan3A_14 = arith.constant 80 : i32
    %scan3A_15 = arith.addi %scan3A_13, %scan3A_14 : i32
    %scan3A_16 = arith.constant 1 : i32
    %scan3A_17 = scf.for %scan3A_48 = %scan3A_13 to %scan3A_15 step %scan3A_16 iter_args(%scan3A_49 = %scan3A_12) -> (i32)  : i32 {
      %scan3A_50 = arith.constant 0 : i32
      %scan3A_51 = arith.constant 0 : i32
      %scan3A_52 = arith.constant 8 : i32
      %scan3A_53 = arith.addi %scan3A_51, %scan3A_52 : i32
      %scan3A_54 = arith.constant 1 : i32
      %scan3A_55 = scf.for %scan3A_57 = %scan3A_51 to %scan3A_53 step %scan3A_54 iter_args(%scan3A_58 = %scan3A_50) -> (i32)  : i32 {
        %mul3A_59 = arith.constant 16 : i32
        %mul3A_60 = arith.muli %scan3A_57, %mul3A_59 : i32
        %get3A = arith.index_cast %scan3A_48 : i32 to index
        %get3A_61 = arith.index_cast %mul3A_60 : i32 to index
        %get3A_62 = tpu.vector_load %arg4[%get3A, %get3A_61] {strides = array<i32>} : memref<80x128xi32, #tpu.memory_space<vmem>>, vector<16xi32>,
        tpu.vector_store_idx %arg5[%get3A_62], %broadcast_in_dim3A_3 {add = true} : memref<10240xf32, #tpu.memory_space<vmem>>[vector<16xi32>], vector<16xf32>,
        %scan3A_63 = arith.constant 0 : i32
        scf.yield %scan3A_63 : i32
      }
      %scan3A_56 = arith.constant 8 : i32
      scf.yield %scan3A_55 : i32
    }
    %scan3A_18 = arith.constant 80 : i32
    %scan3A_19 = arith.constant 0 : i32
    %scan3A_20 = arith.constant 0 : i32
    %scan3A_21 = arith.constant 80 : i32
    %scan3A_22 = arith.addi %scan3A_20, %scan3A_21 : i32
    %scan3A_23 = arith.constant 1 : i32
    %scan3A_24 = scf.for %scan3A_48 = %scan3A_20 to %scan3A_22 step %scan3A_23 iter_args(%scan3A_49 = %scan3A_19) -> (i32)  : i32 {
      %scan3A_50 = arith.constant 0 : i32
      %scan3A_51 = arith.constant 0 : i32
      %scan3A_52 = arith.constant 8 : i32
      %scan3A_53 = arith.addi %scan3A_51, %scan3A_52 : i32
      %scan3A_54 = arith.constant 1 : i32
      %scan3A_55 = scf.for %scan3A_57 = %scan3A_51 to %scan3A_53 step %scan3A_54 iter_args(%scan3A_58 = %scan3A_50) -> (i32)  : i32 {
        %mul3A_59 = arith.constant 128 : i32
        %mul3A_60 = arith.muli %scan3A_48, %mul3A_59 : i32
        %mul3A_61 = arith.constant 16 : i32
        %mul3A_62 = arith.muli %scan3A_57, %mul3A_61 : i32
        %add3A_63 = arith.addi %mul3A_60, %mul3A_62 : i32
        %get3A = arith.index_cast %add3A_63 : i32 to index
        %get3A_64 = tpu.vector_load %arg5[%get3A] {strides = array<i32>} : memref<10240xf32, #tpu.memory_space<vmem>>, vector<16xf32>,
        %mul3A_65 = arith.constant 16 : i32
        %mul3A_66 = arith.muli %scan3A_57, %mul3A_65 : i32
        %swap3A = arith.index_cast %scan3A_48 : i32 to index
        %swap3A_67 = arith.index_cast %mul3A_66 : i32 to index
        %swap3A_68 = tpu.vector_load %arg6[%swap3A, %swap3A_67] {strides = array<i32>} : memref<80x128xf32, #tpu.memory_space<vmem>>, vector<16xf32>,
        tpu.vector_store %arg6[%swap3A, %swap3A_67], %get3A_64 {strides = array<i32>} : memref<80x128xf32, #tpu.memory_space<vmem>>, vector<16xf32>,
        %scan3A_69 = arith.constant 0 : i32
        scf.yield %scan3A_69 : i32
      }
      %scan3A_56 = arith.constant 8 : i32
      scf.yield %scan3A_55 : i32
    }
    %scan3A_25 = arith.constant 80 : i32
    %scan3A_26 = arith.constant 0 : i32
    %scan3A_27 = arith.constant 0 : i32
    %scan3A_28 = arith.constant 8 : i32
    %scan3A_29 = arith.addi %scan3A_27, %scan3A_28 : i32
    %scan3A_30 = arith.constant 1 : i32
    %scan3A_31 = scf.for %scan3A_48 = %scan3A_27 to %scan3A_29 step %scan3A_30 iter_args(%scan3A_49 = %scan3A_26) -> (i32)  : i32 {
      %scan3A_50 = arith.constant 0 : i32
      %scan3A_51 = arith.constant 0 : i32
      %scan3A_52 = arith.constant 8 : i32
      %scan3A_53 = arith.addi %scan3A_51, %scan3A_52 : i32
      %scan3A_54 = arith.constant 1 : i32
      %scan3A_55 = scf.for %scan3A_57 = %scan3A_51 to %scan3A_53 step %scan3A_54 iter_args(%scan3A_58 = %scan3A_50) -> (i32)  : i32 {
        %mul3A_59 = arith.constant 16 : i32
        %mul3A_60 = arith.muli %scan3A_57, %mul3A_59 : i32
        %swap3A = arith.index_cast %scan3A_48 : i32 to index
        %swap3A_61 = arith.index_cast %mul3A_60 : i32 to index
        %swap3A_62 = tpu.vector_load %arg8[%swap3A, %swap3A_61] {strides = array<i32>} : memref<8x128xf32, #tpu.memory_space<vmem>>, vector<16xf32>,
        tpu.vector_store %arg8[%swap3A, %swap3A_61], %broadcast_in_dim3A_1 {strides = array<i32>} : memref<8x128xf32, #tpu.memory_space<vmem>>, vector<16xf32>,
        %scan3A_63 = arith.constant 0 : i32
        scf.yield %scan3A_63 : i32
      }
      %scan3A_56 = arith.constant 8 : i32
      scf.yield %scan3A_55 : i32
    }
    %scan3A_32 = arith.constant 8 : i32
    %lt3A = arith.constant 10 : i32
    %lt3A_33 = arith.cmpi slt, %arg1, %lt3A : i32
    %convert_element_type3A = arith.extui %lt3A_33 : i1 to i32
    %cond3A = arith.constant 0 : i32
    %cond3A_34 = arith.cmpi ne, %convert_element_type3A, %cond3A : i32
    scf.if %cond3A_34 {
      %mul3A_48 = arith.constant 8 : i32
      %mul3A_49 = arith.muli %arg1, %mul3A_48 : i32
      "tpu.region"() ({
        %run_scoped3A = tpu.sem_alloc : memref<!tpu.dma_semaphore, #tpu.memory_space<semaphore_mem>>
        %dma_start3A = arith.constant 0 : i32
        %dma_start3A_50 = tpu.memref_slice %arg9[%mul3A_49, %dma_start3A] : memref<80x128xf32, #tpu.memory_space<vmem_shared>> -> memref<8x128xf32, #tpu.memory_space<vmem_shared>>
        %dma_start3A_51 = arith.constant 0 : i32
        %dma_start3A_52 = tpu.memref_slice %arg9[%mul3A_49, %dma_start3A_51] : memref<80x128xf32, #tpu.memory_space<vmem_shared>> -> memref<8x128xf32, #tpu.memory_space<vmem_shared>>
        tpu.enqueue_dma source(%arg8 : memref<8x128xf32, #tpu.memory_space<vmem>>) target(%dma_start3A_52 : memref<8x128xf32, #tpu.memory_space<vmem_shared>>) target_semaphore(%run_scoped3A : memref<!tpu.dma_semaphore, #tpu.memory_space<semaphore_mem>>)
        %dma_wait3A = arith.constant 0 : i32
        %dma_wait3A_53 = tpu.memref_slice %arg9[%mul3A_49, %dma_wait3A] : memref<80x128xf32, #tpu.memory_space<vmem_shared>> -> memref<8x128xf32, #tpu.memory_space<vmem_shared>>
        %dma_wait3A_54 = arith.constant 0 : i32
        %dma_wait3A_55 = tpu.memref_slice %arg9[%mul3A_49, %dma_wait3A_54] : memref<80x128xf32, #tpu.memory_space<vmem_shared>> -> memref<8x128xf32, #tpu.memory_space<vmem_shared>>
        tpu.wait_dma2 semaphore(%run_scoped3A : memref<!tpu.dma_semaphore, #tpu.memory_space<semaphore_mem>>) src(%arg8 : memref<8x128xf32, #tpu.memory_space<vmem>>) dst(%dma_wait3A_55 : memref<8x128xf32, #tpu.memory_space<vmem_shared>>)
        tpu.yield
      }) : () -> ()
    } else {
    }
    %iota3A = tpu.iota {dimensions = array<i32: 0>} : vector<16xi32>
    %scan3A_35 = arith.constant 0 : i32
    %scan3A_36 = arith.constant 0 : i32
    %scan3A_37 = arith.constant 5 : i32
    %scan3A_38 = arith.addi %scan3A_36, %scan3A_37 : i32
    %scan3A_39 = arith.constant 1 : i32
    %scan3A_40 = scf.for %scan3A_48 = %scan3A_36 to %scan3A_38 step %scan3A_39 iter_args(%scan3A_49 = %scan3A_35) -> (i32)  : i32 {
      %mul3A_50 = arith.constant 16 : i32
      %mul3A_51 = arith.muli %scan3A_48, %mul3A_50 : i32
      %add3A_52 = vector.broadcast %mul3A_51 : i32 to vector<16xi32>
      %add3A_53 = arith.addi %iota3A, %add3A_52 : vector<16xi32>
      %mul3A_54 = arith.constant 16 : i32
      %mul3A_55 = arith.muli %scan3A_48, %mul3A_54 : i32
      %swap3A = arith.index_cast %mul3A_55 : i32 to index
      %swap3A_56 = tpu.vector_load %arg7[%swap3A] {strides = array<i32>} : memref<80xi32, #tpu.memory_space<vmem>>, vector<16xi32>,
      tpu.vector_store %arg7[%swap3A], %add3A_53 {strides = array<i32>} : memref<80xi32, #tpu.memory_space<vmem>>, vector<16xi32>,
      %scan3A_57 = arith.constant 0 : i32
      scf.yield %scan3A_57 : i32
    }
    %scan3A_41 = arith.constant 5 : i32
    %barrier3A = arith.constant 0 : index
    tpu.barrier barrier_id(%barrier3A)
    "tpu.region"() ({
      %run_scoped3A = tpu.sem_alloc : memref<!tpu.dma_semaphore, #tpu.memory_space<semaphore_mem>>
      %dma_start3A = arith.constant 0 : i32
      %dma_start3A_48 = arith.constant 0 : i32
      %dma_start3A_49 = tpu.memref_slice %arg9[%dma_start3A, %dma_start3A_48] : memref<80x128xf32, #tpu.memory_space<vmem_shared>> -> memref<80x128xf32, #tpu.memory_space<vmem_shared>>
      tpu.enqueue_indirect_dma source(%arg6 : memref<80x128xf32, #tpu.memory_space<vmem>>) target(%dma_start3A_49 : memref<80x128xf32, #tpu.memory_space<vmem_shared>>) offsets(%arg7 : memref<80xi32, #tpu.memory_space<vmem>>) semaphore(%run_scoped3A : memref<!tpu.dma_semaphore, #tpu.memory_space<semaphore_mem>>) {add = true}
      %dma_wait3A = arith.constant 0 : i32
      %dma_wait3A_50 = arith.constant 0 : i32
      %dma_wait3A_51 = tpu.memref_slice %arg9[%dma_wait3A, %dma_wait3A_50] : memref<80x128xf32, #tpu.memory_space<vmem_shared>> -> memref<80x128xf32, #tpu.memory_space<vmem_shared>>
      tpu.wait_indirect_dma semaphore(%run_scoped3A : memref<!tpu.dma_semaphore, #tpu.memory_space<semaphore_mem>>) src(%arg6 : memref<80x128xf32, #tpu.memory_space<vmem>>) dst(%dma_wait3A_51 : memref<80x128xf32, #tpu.memory_space<vmem_shared>>)
      tpu.yield
    }) : () -> ()
    %barrier3A_42 = arith.constant 0 : index
    tpu.barrier barrier_id(%barrier3A_42)
    %lt3A_43 = arith.constant 10 : i32
    %lt3A_44 = arith.cmpi slt, %arg1, %lt3A_43 : i32
    %convert_element_type3A_45 = arith.extui %lt3A_44 : i1 to i32
    %cond3A_46 = arith.constant 0 : i32
    %cond3A_47 = arith.cmpi ne, %convert_element_type3A_45, %cond3A_46 : i32
    scf.if %cond3A_47 {
      %mul3A_48 = arith.constant 8 : i32
      %mul3A_49 = arith.muli %arg1, %mul3A_48 : i32
      "tpu.region"() ({
        %run_scoped3A = tpu.sem_alloc : memref<!tpu.dma_semaphore, #tpu.memory_space<semaphore_mem>>
        %dma_start3A = arith.constant 0 : i32
        %dma_start3A_52 = tpu.memref_slice %arg9[%mul3A_49, %dma_start3A] : memref<80x128xf32, #tpu.memory_space<vmem_shared>> -> memref<8x128xf32, #tpu.memory_space<vmem_shared>>
        %dma_start3A_53 = arith.constant 0 : i32
        %dma_start3A_54 = tpu.memref_slice %arg9[%mul3A_49, %dma_start3A_53] : memref<80x128xf32, #tpu.memory_space<vmem_shared>> -> memref<8x128xf32, #tpu.memory_space<vmem_shared>>
        tpu.enqueue_dma source(%dma_start3A_54 : memref<8x128xf32, #tpu.memory_space<vmem_shared>>) target(%arg8 : memref<8x128xf32, #tpu.memory_space<vmem>>) target_semaphore(%run_scoped3A : memref<!tpu.dma_semaphore, #tpu.memory_space<semaphore_mem>>)
        %dma_wait3A = arith.constant 0 : i32
        %dma_wait3A_55 = tpu.memref_slice %arg9[%mul3A_49, %dma_wait3A] : memref<80x128xf32, #tpu.memory_space<vmem_shared>> -> memref<8x128xf32, #tpu.memory_space<vmem_shared>>
        %dma_wait3A_56 = arith.constant 0 : i32
        %dma_wait3A_57 = tpu.memref_slice %arg9[%mul3A_49, %dma_wait3A_56] : memref<80x128xf32, #tpu.memory_space<vmem_shared>> -> memref<8x128xf32, #tpu.memory_space<vmem_shared>>
        tpu.wait_dma2 semaphore(%run_scoped3A : memref<!tpu.dma_semaphore, #tpu.memory_space<semaphore_mem>>) src(%dma_wait3A_57 : memref<8x128xf32, #tpu.memory_space<vmem_shared>>) dst(%arg8 : memref<8x128xf32, #tpu.memory_space<vmem>>)
        tpu.yield
      }) : () -> ()
      %mul3A_50 = arith.constant 8 : i32
      %mul3A_51 = arith.muli %arg1, %mul3A_50 : i32
      "tpu.region"() ({
        %run_scoped3A = tpu.sem_alloc : memref<!tpu.dma_semaphore, #tpu.memory_space<semaphore_mem>>
        %dma_start3A = arith.constant 0 : i32
        %dma_start3A_52 = tpu.memref_slice %arg3[%arg0, %mul3A_51, %dma_start3A] : memref<2x80x128xf32, #tpu.memory_space<hbm>> -> memref<1x8x128xf32, #tpu.memory_space<hbm>>
        %dma_start3A_53 = tpu.memref_squeeze %dma_start3A_52 : memref<1x8x128xf32, #tpu.memory_space<hbm>> -> memref<8x128xf32, #tpu.memory_space<hbm>>
        %dma_start3A_54 = arith.constant 0 : i32
        %dma_start3A_55 = tpu.memref_slice %arg3[%arg0, %mul3A_51, %dma_start3A_54] : memref<2x80x128xf32, #tpu.memory_space<hbm>> -> memref<1x8x128xf32, #tpu.memory_space<hbm>>
        %dma_start3A_56 = tpu.memref_squeeze %dma_start3A_55 : memref<1x8x128xf32, #tpu.memory_space<hbm>> -> memref<8x128xf32, #tpu.memory_space<hbm>>
        tpu.enqueue_dma source(%arg8 : memref<8x128xf32, #tpu.memory_space<vmem>>) target(%dma_start3A_56 : memref<8x128xf32, #tpu.memory_space<hbm>>) target_semaphore(%run_scoped3A : memref<!tpu.dma_semaphore, #tpu.memory_space<semaphore_mem>>)
        %dma_wait3A = arith.constant 0 : i32
        %dma_wait3A_57 = tpu.memref_slice %arg3[%arg0, %mul3A_51, %dma_wait3A] : memref<2x80x128xf32, #tpu.memory_space<hbm>> -> memref<1x8x128xf32, #tpu.memory_space<hbm>>
        %dma_wait3A_58 = tpu.memref_squeeze %dma_wait3A_57 : memref<1x8x128xf32, #tpu.memory_space<hbm>> -> memref<8x128xf32, #tpu.memory_space<hbm>>
        %dma_wait3A_59 = arith.constant 0 : i32
        %dma_wait3A_60 = tpu.memref_slice %arg3[%arg0, %mul3A_51, %dma_wait3A_59] : memref<2x80x128xf32, #tpu.memory_space<hbm>> -> memref<1x8x128xf32, #tpu.memory_space<hbm>>
        %dma_wait3A_61 = tpu.memref_squeeze %dma_wait3A_60 : memref<1x8x128xf32, #tpu.memory_space<hbm>> -> memref<8x128xf32, #tpu.memory_space<hbm>>
        tpu.wait_dma2 semaphore(%run_scoped3A : memref<!tpu.dma_semaphore, #tpu.memory_space<semaphore_mem>>) src(%arg8 : memref<8x128xf32, #tpu.memory_space<vmem>>) dst(%dma_wait3A_61 : memref<8x128xf32, #tpu.memory_space<hbm>>)
        tpu.yield
      }) : () -> ()
    } else {
    }
    return
  }
}

module attributes {stable_mosaic.version = 14 : i64} {
  func.func @_slice_body(%arg0: memref<2x320000xi32, #tpu.memory_space<vmem>>, %arg1: memref<2560x128xi32, #tpu.memory_space<vmem>>, %arg2: memref<2560x128xi32, #tpu.memory_space<vmem>>) attributes {dimension_semantics = [], scalar_prefetch = 0 : i64, scratch_operands = 0 : i64, tpu.core_type = #tpu.core_type<tc>} {
    %get3A = arith.constant 0 : index
    %get3A_0 = arith.constant 0 : index
    %get3A_1 = vector.load %arg0[%get3A, %get3A_0] : memref<2x320000xi32, #tpu.memory_space<vmem>>, vector<2x320000xi32>
    %slice3A = vector.extract_strided_slice %get3A_1 {offsets = [0, 0], sizes = [1, 320000], strides = [1, 1]} : vector<2x320000xi32> to vector<1x320000xi32>
    %squeeze3A = vector.shape_cast %slice3A : vector<1x320000xi32> to vector<320000xi32>
    %reshape3A = vector.shape_cast %squeeze3A : vector<320000xi32> to vector<2500x128xi32>
    %swap3A = arith.constant 0 : index
    %swap3A_2 = arith.constant 0 : index
    %swap3A_3 = vector.load %arg1[%swap3A, %swap3A_2] : memref<2560x128xi32, #tpu.memory_space<vmem>>, vector<2500x128xi32>
    tpu.vector_store %arg1[%swap3A, %swap3A_2], %reshape3A {strides = array<i32>} : memref<2560x128xi32, #tpu.memory_space<vmem>>, vector<2500x128xi32>,
    %slice3A_4 = vector.extract_strided_slice %get3A_1 {offsets = [1, 0], sizes = [1, 320000], strides = [1, 1]} : vector<2x320000xi32> to vector<1x320000xi32>
    %squeeze3A_5 = vector.shape_cast %slice3A_4 : vector<1x320000xi32> to vector<320000xi32>
    %reshape3A_6 = vector.shape_cast %squeeze3A_5 : vector<320000xi32> to vector<2500x128xi32>
    %swap3A_7 = arith.constant 0 : index
    %swap3A_8 = arith.constant 0 : index
    %swap3A_9 = vector.load %arg2[%swap3A_7, %swap3A_8] : memref<2560x128xi32, #tpu.memory_space<vmem>>, vector<2500x128xi32>
    tpu.vector_store %arg2[%swap3A_7, %swap3A_8], %reshape3A_6 {strides = array<i32>} : memref<2560x128xi32, #tpu.memory_space<vmem>>, vector<2500x128xi32>,
    %iota3A = tpu.iota {dimensions = array<i32: 1>} : vector<60x128xi32>
    %swap3A_10 = arith.constant 2500 : index
    %swap3A_11 = arith.constant 0 : index
    %swap3A_12 = vector.load %arg1[%swap3A_10, %swap3A_11] : memref<2560x128xi32, #tpu.memory_space<vmem>>, vector<60x128xi32>
    tpu.vector_store %arg1[%swap3A_10, %swap3A_11], %iota3A {strides = array<i32>} : memref<2560x128xi32, #tpu.memory_space<vmem>>, vector<60x128xi32>,
    %add3A = arith.constant 10000 : i32
    %add3A_13 = vector.broadcast %add3A : i32 to vector<60x128xi32>
    %add3A_14 = arith.addi %iota3A, %add3A_13 : vector<60x128xi32>
    %swap3A_15 = arith.constant 2500 : index
    %swap3A_16 = arith.constant 0 : index
    %swap3A_17 = vector.load %arg2[%swap3A_15, %swap3A_16] : memref<2560x128xi32, #tpu.memory_space<vmem>>, vector<60x128xi32>
    tpu.vector_store %arg2[%swap3A_15, %swap3A_16], %add3A_14 {strides = array<i32>} : memref<2560x128xi32, #tpu.memory_space<vmem>>, vector<60x128xi32>,
    return
  }
}

module attributes {stable_mosaic.version = 14 : i64} {
  func.func @_mm_body(%arg0: i32, %arg1: memref<1024x128xf32, #tpu.memory_space<vmem>>, %arg2: memref<128x128xf32, #tpu.memory_space<vmem>>, %arg3: memref<2x8x128xf32, #tpu.memory_space<vmem>>, %arg4: memref<1024x128xbf16, #tpu.memory_space<vmem>>) attributes {dimension_semantics = [#tpu.dimension_semantics<arbitrary>], iteration_bounds = array<i64: 10>, scalar_prefetch = 0 : i64, scratch_operands = 0 : i64, tpu.core_type = #tpu.core_type<tc>, window_params = [{transform_indices = @transform_0, window_bounds = array<i64: 1024, 128>}, {pipeline_mode = #tpu.pipeline_mode<synchronous>, transform_indices = @transform_1, window_bounds = array<i64: 128, 128>}, {transform_indices = @transform_2, window_bounds = array<i64: 2, 8, 128>}, {transform_indices = @transform_3, window_bounds = array<i64: 1024, 128>}]} {
    %get3A = arith.constant 0 : index
    %get3A_0 = arith.constant 0 : index
    %get3A_1 = arith.constant 0 : index
    %get3A_2 = vector.load %arg3[%get3A, %get3A_0, %get3A_1] : memref<2x8x128xf32, #tpu.memory_space<vmem>>, vector<1x8x128xf32>
    %get3A_3 = vector.shape_cast %get3A_2 : vector<1x8x128xf32> to vector<8x128xf32>
    %get3A_4 = arith.constant 1 : index
    %get3A_5 = arith.constant 0 : index
    %get3A_6 = arith.constant 0 : index
    %get3A_7 = vector.load %arg3[%get3A_4, %get3A_5, %get3A_6] : memref<2x8x128xf32, #tpu.memory_space<vmem>>, vector<1x8x128xf32>
    %get3A_8 = vector.shape_cast %get3A_7 : vector<1x8x128xf32> to vector<8x128xf32>
    %add3A = arith.addf %get3A_3, %get3A_8 : vector<8x128xf32>
    %add3A_9 = arith.constant 1.000000e+00 : f32
    %add3A_10 = vector.broadcast %add3A_9 : f32 to vector<8x128xf32>
    %add3A_11 = arith.addf %add3A, %add3A_10 : vector<8x128xf32>
    %rsqrt3A = math.rsqrt %add3A_11 : vector<8x128xf32>
    %get3A_12 = arith.constant 0 : index
    %get3A_13 = arith.constant 0 : index
    %get3A_14 = vector.load %arg1[%get3A_12, %get3A_13] : memref<1024x128xf32, #tpu.memory_space<vmem>>, vector<1024x128xf32>
    %get3A_15 = arith.constant 0 : index
    %get3A_16 = arith.constant 0 : index
    %get3A_17 = vector.load %arg2[%get3A_15, %get3A_16] : memref<128x128xf32, #tpu.memory_space<vmem>>, vector<128x128xf32>
    %dot_general3A = arith.constant dense<0.000000e+00> : vector<1024x128xf32>
    %dot_general3A_18 = tpu.matmul %get3A_14, %get3A_17, %dot_general3A {dimension_numbers = #tpu.dot_dimension_numbers<[1], [0], [0], [1], [0, 0, 1, 1], [], []>, transpose_lhs_hint = false} : vector<1024x128xf32>, vector<128x128xf32>, vector<1024x128xf32> -> vector<1024x128xf32>
    %reshape3A = vector.shape_cast %dot_general3A_18 : vector<1024x128xf32> to vector<8x128x128xf32>
    %broadcast_in_dim3A = vector.shape_cast %rsqrt3A : vector<8x128xf32> to vector<8x128x1xf32>
    %mul3A = vector.broadcast %broadcast_in_dim3A : vector<8x128x1xf32> to vector<8x128x128xf32>
    %mul3A_19 = arith.mulf %reshape3A, %mul3A : vector<8x128x128xf32>
    %reshape3A_20 = vector.shape_cast %mul3A_19 : vector<8x128x128xf32> to vector<1024x128xf32>
    %convert_element_type3A = arith.truncf %reshape3A_20 : vector<1024x128xf32> to vector<1024x128xbf16>
    %swap3A = arith.constant 0 : index
    %swap3A_21 = arith.constant 0 : index
    %swap3A_22 = vector.load %arg4[%swap3A, %swap3A_21] : memref<1024x128xbf16, #tpu.memory_space<vmem>>, vector<1024x128xbf16>
    tpu.vector_store %arg4[%swap3A, %swap3A_21], %convert_element_type3A {strides = array<i32>} : memref<1024x128xbf16, #tpu.memory_space<vmem>>, vector<1024x128xbf16>,
    return
  }
  func.func @transform_0(%arg0: i32) -> (i32, i32) {
    %c0_i32 = arith.constant 0 : i32
    %c0_i32_0 = arith.constant 0 : i32
    return %arg0, %c0_i32 : i32, i32
  }
  func.func @transform_1(%arg0: i32) -> (i32, i32) {
    %c0_i32 = arith.constant 0 : i32
    %c0_i32_0 = arith.constant 0 : i32
    %c0_i32_1 = arith.constant 0 : i32
    return %c0_i32, %c0_i32_0 : i32, i32
  }
  func.func @transform_2(%arg0: i32) -> (i32, i32, i32) {
    %c0_i32 = arith.constant 0 : i32
    %c0_i32_0 = arith.constant 0 : i32
    %c0_i32_1 = arith.constant 0 : i32
    return %c0_i32, %arg0, %c0_i32_0 : i32, i32, i32
  }
  func.func @transform_3(%arg0: i32) -> (i32, i32) {
    %c0_i32 = arith.constant 0 : i32
    %c0_i32_0 = arith.constant 0 : i32
    return %arg0, %c0_i32 : i32, i32
  }
}

module attributes {stable_mosaic.version = 14 : i64} {
  func.func @_ep_body(%arg0: i32, %arg1: memref<2x1024x128xbf16, #tpu.memory_space<vmem>>, %arg2: memref<1024x128xbf16, #tpu.memory_space<vmem>>, %arg3: memref<2x8x128xf32, #tpu.memory_space<vmem>>, %arg4: memref<1x128xf32, #tpu.memory_space<vmem>>, %arg5: memref<1024x128xf32, #tpu.memory_space<vmem>>) attributes {dimension_semantics = [#tpu.dimension_semantics<arbitrary>], iteration_bounds = array<i64: 10>, scalar_prefetch = 0 : i64, scratch_operands = 0 : i64, tpu.core_type = #tpu.core_type<tc>, window_params = [{transform_indices = @transform_0, window_bounds = array<i64: 2, 1024, 128>}, {transform_indices = @transform_1, window_bounds = array<i64: 1024, 128>}, {transform_indices = @transform_2, window_bounds = array<i64: 2, 8, 128>}, {pipeline_mode = #tpu.pipeline_mode<synchronous>, transform_indices = @transform_3, window_bounds = array<i64: 1, 128>}, {transform_indices = @transform_4, window_bounds = array<i64: 1024, 128>}]} {
    %get3A = arith.constant 0 : index
    %get3A_0 = arith.constant 0 : index
    %get3A_1 = arith.constant 0 : index
    %get3A_2 = vector.load %arg3[%get3A, %get3A_0, %get3A_1] : memref<2x8x128xf32, #tpu.memory_space<vmem>>, vector<1x8x128xf32>
    %get3A_3 = vector.shape_cast %get3A_2 : vector<1x8x128xf32> to vector<8x128xf32>
    %get3A_4 = arith.constant 1 : index
    %get3A_5 = arith.constant 0 : index
    %get3A_6 = arith.constant 0 : index
    %get3A_7 = vector.load %arg3[%get3A_4, %get3A_5, %get3A_6] : memref<2x8x128xf32, #tpu.memory_space<vmem>>, vector<1x8x128xf32>
    %get3A_8 = vector.shape_cast %get3A_7 : vector<1x8x128xf32> to vector<8x128xf32>
    %add3A = arith.addf %get3A_3, %get3A_8 : vector<8x128xf32>
    %add3A_9 = arith.constant 1.000000e+00 : f32
    %add3A_10 = vector.broadcast %add3A_9 : f32 to vector<8x128xf32>
    %add3A_11 = arith.addf %add3A, %add3A_10 : vector<8x128xf32>
    %rsqrt3A = math.rsqrt %add3A_11 : vector<8x128xf32>
    %get3A_12 = arith.constant 0 : index
    %get3A_13 = arith.constant 0 : index
    %get3A_14 = arith.constant 0 : index
    %get3A_15 = vector.load %arg1[%get3A_12, %get3A_13, %get3A_14] : memref<2x1024x128xbf16, #tpu.memory_space<vmem>>, vector<1x1024x128xbf16>
    %get3A_16 = vector.shape_cast %get3A_15 : vector<1x1024x128xbf16> to vector<1024x128xbf16>
    %convert_element_type3A = arith.extf %get3A_16 : vector<1024x128xbf16> to vector<1024x128xf32>
    %get3A_17 = arith.constant 1 : index
    %get3A_18 = arith.constant 0 : index
    %get3A_19 = arith.constant 0 : index
    %get3A_20 = vector.load %arg1[%get3A_17, %get3A_18, %get3A_19] : memref<2x1024x128xbf16, #tpu.memory_space<vmem>>, vector<1x1024x128xbf16>
    %get3A_21 = vector.shape_cast %get3A_20 : vector<1x1024x128xbf16> to vector<1024x128xbf16>
    %convert_element_type3A_22 = arith.extf %get3A_21 : vector<1024x128xbf16> to vector<1024x128xf32>
    %add3A_23 = arith.addf %convert_element_type3A, %convert_element_type3A_22 : vector<1024x128xf32>
    %get3A_24 = arith.constant 0 : index
    %get3A_25 = arith.constant 0 : index
    %get3A_26 = vector.load %arg2[%get3A_24, %get3A_25] : memref<1024x128xbf16, #tpu.memory_space<vmem>>, vector<1024x128xbf16>
    %convert_element_type3A_27 = arith.extf %get3A_26 : vector<1024x128xbf16> to vector<1024x128xf32>
    %add3A_28 = arith.addf %add3A_23, %convert_element_type3A_27 : vector<1024x128xf32>
    %reshape3A = vector.shape_cast %add3A_28 : vector<1024x128xf32> to vector<8x128x128xf32>
    %broadcast_in_dim3A = vector.shape_cast %rsqrt3A : vector<8x128xf32> to vector<8x128x1xf32>
    %mul3A = vector.broadcast %broadcast_in_dim3A : vector<8x128x1xf32> to vector<8x128x128xf32>
    %mul3A_29 = arith.mulf %reshape3A, %mul3A : vector<8x128x128xf32>
    %get3A_30 = arith.constant 0 : index
    %get3A_31 = arith.constant 0 : index
    %get3A_32 = vector.load %arg4[%get3A_30, %get3A_31] : memref<1x128xf32, #tpu.memory_space<vmem>>, vector<1x128xf32>
    %get3A_33 = vector.shape_cast %get3A_32 : vector<1x128xf32> to vector<128xf32>
    %broadcast_in_dim3A_34 = vector.shape_cast %get3A_33 : vector<128xf32> to vector<1x1x128xf32>
    %add3A_35 = vector.broadcast %broadcast_in_dim3A_34 : vector<1x1x128xf32> to vector<8x128x128xf32>
    %add3A_36 = arith.addf %mul3A_29, %add3A_35 : vector<8x128x128xf32>
    %reshape3A_37 = vector.shape_cast %add3A_36 : vector<8x128x128xf32> to vector<1024x128xf32>
    %max3A = arith.constant 0.000000e+00 : f32
    %max3A_38 = vector.broadcast %max3A : f32 to vector<1024x128xf32>
    %max3A_39 = arith.maximumf %reshape3A_37, %max3A_38 : vector<1024x128xf32>
    %swap3A = arith.constant 0 : index
    %swap3A_40 = arith.constant 0 : index
    %swap3A_41 = vector.load %arg5[%swap3A, %swap3A_40] : memref<1024x128xf32, #tpu.memory_space<vmem>>, vector<1024x128xf32>
    tpu.vector_store %arg5[%swap3A, %swap3A_40], %max3A_39 {strides = array<i32>} : memref<1024x128xf32, #tpu.memory_space<vmem>>, vector<1024x128xf32>,
    return
  }
  func.func @transform_0(%arg0: i32) -> (i32, i32, i32) {
    %c0_i32 = arith.constant 0 : i32
    %c0_i32_0 = arith.constant 0 : i32
    %c0_i32_1 = arith.constant 0 : i32
    return %c0_i32, %arg0, %c0_i32_0 : i32, i32, i32
  }
  func.func @transform_1(%arg0: i32) -> (i32, i32) {
    %c0_i32 = arith.constant 0 : i32
    %c0_i32_0 = arith.constant 0 : i32
    return %arg0, %c0_i32 : i32, i32
  }
  func.func @transform_2(%arg0: i32) -> (i32, i32, i32) {
    %c0_i32 = arith.constant 0 : i32
    %c0_i32_0 = arith.constant 0 : i32
    %c0_i32_1 = arith.constant 0 : i32
    return %c0_i32, %arg0, %c0_i32_0 : i32, i32, i32
  }
  func.func @transform_3(%arg0: i32) -> (i32, i32) {
    %c0_i32 = arith.constant 0 : i32
    %c0_i32_0 = arith.constant 0 : i32
    %c0_i32_1 = arith.constant 0 : i32
    return %c0_i32, %c0_i32_0 : i32, i32
  }
  func.func @transform_4(%arg0: i32) -> (i32, i32) {
    %c0_i32 = arith.constant 0 : i32
    %c0_i32_0 = arith.constant 0 : i32
    return %arg0, %c0_i32 : i32, i32
  }
}

</mosaic_0001>

<sc_bundles>
// kernel: kernel.10.cloned.1.call-start
scs
__scs_entry_jumppad:
0x0: {  	(pc) =	sbr.rel $0x88, $3  }
0x1: {  	(tag) =	ssettag $0x0;
	lr =	simm.s32 $0x1  }
0x2: {  	[smem:$0x3F9D] =	sst lr;
	_ =	strace $0xD0000000  }
0x3: {  	_ = 	snop  }
0x4: {  	_ = 	snop  }
0x5: {  	_ = 	snop  }
0x6: {  	_ = 	snop  }
0x7: {  	_ = 	snop  }
__scs_overlays_trampoline_lowered:
0x8: {  	[smem:$0x3FAC] =	sst s0  }
0x9: {  	[smem:$0x3FAD] =	sst s1  }
0xa: {  	[smem:$0x3FAE] =	sst s2  }
0xb: {  	[smem:$0x3FAF] =	sst s3  }
0xc: {  	[smem:$0x3FB0] =	sst s4  }
0xd: {  	[smem:$0x3FB1] =	sst s5  }
0xe: {  	[smem:$0x3FB2] =	sst s6  }
0xf: {  	[smem:$0x3FB3] =	sst s7  }
0x10: {  	[smem:$0x3FB4] =	sst s8  }
0x11: {  	[smem:$0x3FB5] =	sst s9;
	s0 =	simm.s32 @!p0 $0x0  }
0x12: {  	s1 =	sld [smem:$0x3F9B];
	s0 =	simm.s32 @p0 $0x1  }
0x13: {  	[smem:$0x3FB6] =	sst s0;
	s0 =	simm.s32 @!p1 $0x0  }
0x14: {  	s2 =	sld [smem:$0x3F9A];
	s0 =	simm.s32 @p1 $0x1  }
0x15: {  	[smem:$0x3FB7] =	sst s0;
	s0 =	simm.s32 @!p2 $0x0  }
0x16: {  	s3 =	sld [smem:$0x3FDB];
	s0 =	simm.s32 @p2 $0x1  }
0x17: {  	s4 =	simm.s32 $0x1BF5;
	[smem:$0x3FB9] =	sst s0  }
0x18: {  	s0 =	sld [smem:$0x3F9C];
	_ =	swait.ge [sflag:s4], $0x0  }
0x19: {  	s7 =	sld [smem:$0x3F9D]  }
0x1a: {  	s8 =	sadd.s32 $0xFFFFE003, lr  }
0x1b: {  	s9 =	sadd.s32 $0xFFFFFEF7, lr;
	s5 =	simm.s32 $0xFFFFFFFF;
	p2 =	slt.u32 s8, $0xFFFFF086  }
0x1c: {  	p1 =	slt.u32 s9, $0xF7A;
	s5 =	simm.s32 @!p2 $0x0  }
0x1d: {  	s5 =	simm.s32 @p1 $0x1;
	p0 =	seq.s32 s7, s2  }
0x1e: {  	s7 =	smul.u32 @!p0 $0xF7A, s2;
	p2 =	seq.s32 @!p0 s5, $0x0  }
0x1f: {  	s9 =	smul.u32 $0xF7A, s1;
	s8 =	simm.s32 @!p0 $0x1BF5;
	p2 =	por !p2, p0  }
0x20: {  	[sflag:s8] =	ssyncset.s32 @!p0 $0xFFFFF086;
	s6 =	sadd.s32 @!p0 s3, s7;
	s7 =	simm.s32 @!p0 $0x108  }
0x21: {  	s3 =	sadd.s32 s3, s9;
	s6 =	sadd.s32 @!p0 $0x88, s6;
	s7 =	simm.s32 @p2 $0x1082  }
0x22: {  	[simem:s7], [sflag:s8] =	dma.local @!p0 [hbm:s6], $0xF7A  }
0x23: {  	s9 =	sor.u32 $0xD0000000, s2;
	s6 =	simm.s32 $0x108;
	_ =	swait.ge @!p0 [sflag:s8], $0x0  }
0x24: {  	s3 =	sadd.s32 $0x88, s3;
	s6 =	simm.s32 @!p1 $0x1082;
	[sflag:s4] =	ssyncset.s32 $0xFFFFF086  }
0x25: {  	[simem:s6], [sflag:s4] =	dma.local [hbm:s3], $0xF7A  }
0x26: {  	[smem:$0x3F9D] =	sst s1;
	(tag) =	ssettag s2;
	_ =	strace s9  }
0x27: {  	s1 =	sld [smem:$0x3FAD]  }
0x28: {  	s2 =	sld [smem:$0x3FAE]  }
0x29: {  	s4 =	sld [smem:$0x3FB0]  }
0x2a: {  	p0 =	seq.s32 s5, $0x0;
	s5 =	sld [smem:$0x3FB1]  }
0x2b: {  	s6 =	sld [smem:$0x3FB2]  }
0x2c: {  	s7 =	sld [smem:$0x3FB3]  }
0x2d: {  	s3 =	simm.s32 $0x108;
	s8 =	sld [smem:$0x3FB4]  }
0x2e: {  	s3 =	simm.s32 @!p0 $0x1082;
	s9 =	sld [smem:$0x3FB5]  }
0x2f: {  	lr =	sadd.s32 s0, s3;
	s0 =	sld [smem:$0x3FAC]  }
0x30: {  	s3 =	sld [smem:$0x3FAF]  }
0x31: {  	[smem:$0x3FB8] =	sst s10  }
0x32: {  	s10 =	sld [smem:$0x3FB6];
	_ =	sdelay $0x3  }
0x33: {  	p0 =	seq.s32 s10, $0x1;
	s10 =	sld [smem:$0x3FB8];
	_ =	sdelay $0x3  }
0x34: {  	[smem:$0x3FB8] =	sst s10  }
0x35: {  	s10 =	sld [smem:$0x3FB7];
	_ =	sdelay $0x3  }
0x36: {  	p1 =	seq.s32 s10, $0x1;
	s10 =	sld [smem:$0x3FB8];
	_ =	sdelay $0x3  }
0x37: {  	[smem:$0x3FB8] =	sst s10  }
0x38: {  	s10 =	sld [smem:$0x3FB9]  }
0x39: {  	_ = 	snop;
	(pc) =	sbr.ind lr, $3  }
0x3a: {  	_ = 	snop  }
0x3b: {  	_ = 	snop  }
0x3c: {  	p2 =	seq.s32 s10, $0x1;
	s10 =	sld [smem:$0x3FB8]  }
0x3d: {  	_ =	shalt  }
0x3e: {  	_ =	shalt  }
0x3f: {  	_ =	shalt  }
0x40: {  	_ =	shalt  }
0x41: {  	_ =	shalt  }
0x42: {  	_ =	shalt  }
0x43: {  	_ =	shalt  }
0x44: {  	_ =	shalt  }
0x45: {  	_ =	shalt  }
0x46: {  	_ =	shalt  }
0x47: {  	_ =	shalt  }
0x48: {  	_ =	shalt  }
0x49: {  	_ =	shalt  }
0x4a: {  	_ =	shalt  }
0x4b: {  	_ =	shalt  }
0x4c: {  	_ =	shalt  }
0x4d: {  	_ =	shalt  }
0x4e: {  	_ =	shalt  }
0x4f: {  	_ =	shalt  }
0x50: {  	_ =	shalt  }
0x51: {  	_ =	shalt  }
0x52: {  	_ =	shalt  }
0x53: {  	_ =	shalt  }
0x54: {  	_ =	shalt  }
0x55: {  	_ =	shalt  }
0x56: {  	_ =	shalt  }
0x57: {  	_ =	shalt  }
0x58: {  	_ =	shalt  }
0x59: {  	_ =	shalt  }
0x5a: {  	_ =	shalt  }
0x5b: {  	_ =	shalt  }
0x5c: {  	_ =	shalt  }
0x5d: {  	_ =	shalt  }
0x5e: {  	_ =	shalt  }
0x5f: {  	_ =	shalt  }
0x60: {  	_ =	shalt  }
0x61: {  	_ =	shalt  }
0x62: {  	_ =	shalt  }
0x63: {  	_ =	shalt  }
0x64: {  	_ =	shalt  }
0x65: {  	_ =	shalt  }
0x66: {  	_ =	shalt  }
0x67: {  	_ =	shalt  }
0x68: {  	_ =	shalt  }
0x69: {  	_ =	shalt  }
0x6a: {  	_ =	shalt  }
0x6b: {  	_ =	shalt  }
0x6c: {  	_ =	shalt  }
0x6d: {  	_ =	shalt  }
0x6e: {  	_ =	shalt  }
0x6f: {  	_ =	shalt  }
0x70: {  	_ =	shalt  }
0x71: {  	_ =	shalt  }
0x72: {  	_ =	shalt  }
0x73: {  	_ =	shalt  }
0x74: {  	_ =	shalt  }
0x75: {  	_ =	shalt  }
0x76: {  	_ =	shalt  }
0x77: {  	_ =	shalt  }
0x78: {  	_ =	shalt  }
0x79: {  	_ =	shalt  }
0x7a: {  	_ =	shalt  }
0x7b: {  	_ =	shalt  }
0x7c: {  	_ =	shalt  }
0x7d: {  	_ =	shalt  }
0x7e: {  	_ =	shalt  }
0x7f: {  	_ =	shalt  }
0x80: {  	_ =	shalt  }
0x81: {  	_ =	shalt  }
0x82: {  	_ =	shalt  }
0x83: {  	_ =	shalt  }
0x84: {  	_ =	shalt  }
0x85: {  	_ =	shalt  }
0x86: {  	_ =	shalt  }
0x87: {  	_ =	shalt  }
.Lfunc_end0:
.L_simem_size_0:
called_computation.1_lowered:
.L_overlay_start_0:
0x88: {  	s2 =	sld [smem:$0x3FD9]  }
0x89: {  	s3 =	sld [smem:$0x3FFE];
	_ =	sdelay $0x1  }
0x8a: {  	s1 =	srdreg.scid  }
0x8b: {  	s0 =	sand.u32 $0x1, s1  }
0x8c: {  	s17 =	sshll.u32 s0, $0xA;
	s2 =	sadd.s32 s3, s2  }
0x8d: {  	s2 =	sadd.s32 s2, s17  }
0x8e: {  	[smem:$0x3FC4] =	sst s2  }
0x8f: {  	_ = 	snop  }
0x90: {  	s2 =	sld [smem:$0x3FD0];
	(tm) =	ssettm $0x1  }
0x91: {  	s18 =	sld [smem:$0x3FFB];
	_ =	sdelay $0x3  }
0x92: {  	_ =	strace s18  }
0x93: {  	s3 =	sld [smem:$0x3FFC];
	_ =	sdelay $0x3  }
0x94: {  	_ =	strace s3  }
0x95: {  	s3 =	sld [smem:$0x3FFD];
	_ =	sdelay $0x3  }
0x96: {  	_ =	strace s3  }
0x97: {  	_ =	strace $0x8FFFFFFF  }
0x98: {  	s19 =	sld [smem:$0x3FDB];
	_ =	sdelay $0x1  }
0x99: {  	s4 =	simm.s32 $_scs_section_size  }
0x9a: {  	s5 =	simm.s32 $_size__tile_overlayer_lowered;
	s6 =	simm.s32 $_tile_overlayer_lowered  }
0x9b: {  	s22 =	simm.s32 $0x1BFF;
	s21 =	sshll.u32 s6, $0x1;
	s3 =	sadd.s32 s4, s19  }
0x9c: {  	s7 =	simm.s32 $0x0;
	s20 =	sshll.u32 s5, $0x1;
	s5 =	sadd.s32 s21, s3  }
0x9d: {  	[timem:s7], [sflag:s22] =	dma.local [hbm:s5], s20  }
0x9e: {  	_ =	swait.ge [sflag:s22], s20  }
0x9f: {  	s4 =	ssub.s32 $0x0, s20;
	[sflag:s22] =	ssyncset.done $0x0  }
0xa0: {  	[sflag:s22] =	ssyncadd.s32 s4;
	_ =	sdelay $0x1  }
0xa1: {  	s23 =	simm.s32 $0x1B8B  }
0xa2: {  	_ =	swait.ge [sflag:s23], $0x1  }
0xa3: {  	[sflag:s23] =	ssyncset.done $0x0  }
0xa4: {  	s25 =	simm.s32 $0x1B8E;
	s24 =	sld [smem:$0x3FFE];
	[sflag:s23] =	ssyncadd.s32 $0xFFFFFFFF  }
0xa5: {  	s26 =	simm.s32 $execute0_lowered;
	[smem:$0x3FD2] =	sst s25  }
0xa6: {  	s5 =	sshll.u32 s26, $0x1;
	_ =	strace $0x80000049;
	[dreg:$0x1] =	wrdreg $0xFFFFFFFF  }
0xa7: {  	s28 =	simm.s32 $_size_execute0_lowered;
	s3 =	sadd.s32 s3, s5;
	[dreg:$0x0] =	wrdreg $0x0  }
0xa8: {  	s5 =	sshll.u32 s28, $0x1;
	[dreg:$0x2] =	wrdreg s3  }
0xa9: {  	[dreg:$0x3] =	wrdreg s5  }
0xaa: {  	[dreg:$0x4] =	wrdreg $0xC0  }
0xab: {  	_ =	task [dreg:s7], $0x5FFFF  }
0xac: {  	[dreg:$0x1] =	wrdreg $0xFFFFFFFF  }
0xad: {  	[dreg:$0x0] =	wrdreg $0x60  }
0xae: {  	[dreg:$0x2] =	wrdreg s2  }
0xaf: {  	[dreg:$0x3] =	wrdreg s24  }
0xb0: {  	[dreg:$0x4] =	wrdreg $0xB2000  }
0xb1: {  	[dreg:$0x5] =	wrdreg $0x9  }
0xb2: {  	_ =	task.clear_ibuf [dreg:s7], $0x6FFFF;
	_ =	strace $0x90000049  }
0xb3: {  	s29 =	simm.s32 $0x9;
	_ =	strace $0x8000004B  }
0xb4: {  	_ =	swait.ge [sflag:s29], $0x1  }
0xb5: {  	[sflag:s29] =	ssyncadd.s32 $0xFFFFFFFF  }
0xb6: {  	_ =	strace $0x9000004B  }
0xb7: {  	_ =	sfence  }
0xb8: {  	s30 =	sld [smem:$0x0];
	_ =	sdelay $0x2  }
0xb9: {  	s31 =	sshll.u32 s1, $0xD;
	s1 =	sshrl.u32 s1, $0x2  }
0xba: {  	s3 =	sand.u32 $0x4000, s31;
	s1 =	sadd.s32 s1, s30  }
0xbb: {  	s0 =	sor.u32 s3, s0;
	s1 =	sshll.u32 s1, $0x11  }
0xbc: {  	s0 =	sor.u32 s1, s0  }
0xbd: {  	s0 =	sadd.s32 $0x8F2B, s0  }
0xbe: {  	[sflag:s0] =	ssyncadd.remote.s32 $0x1  }
0xbf: {  	_ =	sfence.sel $0xFFFF  }
0xc0: {  	[dreg:$0x0] =	wrdreg $0xFFFFFFFF;
	(pc) =	sbr.abs _section_cstart, $3  }
0xc1: {  	[dreg:$0x1] =	wrdreg $0xFFFFFFFF  }
0xc2: {  	_ =	task.clear_ibuf [dreg:s7], $0x2FFFF;
	_ =	strace $0x9FFFFFFF  }
0xc3: {  	(tm) =	ssettm $0x7FFFFFFF  }
tec
execute0_lowered:
.L_overlay_start_1:
0x0: {  	(tag) =	ssettag $0x1  }
0x1: {  	s1 =	rddreg [dreg:$0x0]  }
0x2: {  	s5 =	rddreg [dreg:$0x1]  }
0x3: {  	s3 =	rddreg [dreg:$0x2]  }
0x4: {  	s2 =	srdreg.scid;
	s0 =	rddreg [dreg:$0x3]  }
0x5: {  	s4 =	simm.s32 $0x0;
	s12 =	simm.s32 $0x2800;
	s13 =	simm.s32 $0x80  }
0x6: {  	s14 =	simm.s32 $0x5000;
	s15 =	simm.s32 $0x7000;
	s16 =	simm.s32 $0x9000  }
0x7: {  	s17 =	simm.s32 $0x1;
	s18 =	simm.s32 $0x6;
	s19 =	simm.s32 $0x2  }
0x8: {  	s20 =	simm.s32 $0x4;
	s21 =	simm.s32 $0x3;
	s22 =	simm.s32 $0x5  }
0x9: {  	s23 =	simm.s32 $0x4F00;
	s6 =	sand.u32 $0x1, s2;
	s2 =	stileid.u32  }
0xa: {  	s24 =	simm.s32 $0x4F80;
	[smem:$0x7FF] =	sst s4;
	s8 =	smul.u32 $0x140000, s6  }
0xb: {  	s7 =	sshll.u32 s6, $0x4;
	s9 =	smul.u32 $0x14000, s2;
	_ =	strace $0x8000004A  }
0xc: {  	s10 =	smul.u32 $0x28000, s2;
	s6 =	ssub.s32 $0x2, s6;
	s7 =	sor.u32 s2, s7  }
0xd: {  	s31 =	sshrl.u32 s6, $0x1;
	s7 =	smul.u32 $0x500, s7;
	s8 =	sadd.s32 s9, s8  }
0xe: {  	s10 =	sshrl.u32 s10, $0x2;
	s11 =	ssub.s32 s6, s31;
	s9 =	sshrl.u32 s9, $0x1  }
0xf: {  	s8 =	sshrl.u32 s8, $0x4;
	s25 =	sadd.s32 s9, s3;
	s9 =	smax.u32 s11, $0x1  }
0x10: {  	s11 =	simm.s32 $0x7;
	s7 =	sadd.s32 s7, s5;
	s8 =	sadd.s32 s8, s5  }
0x11: {  	s5 =	sadd.s32 s10, s3;
	s10 =	simm.s32 $0xB000;
	s25 =	sshrl.u32 s25, $0x3  }
0x12: {  	v0 =	vimm.bf16 $0.0e+00;
	s6 =	sadd.s32 $0xBA00, s7;
	s7 =	sadd.s32 $0x1A00, s7;
	s8 =	sadd.s32 $0x16400, s8  }
.LBB2_1:
0x13: {  	[tilespmem:$0xB000] =	vst v0  }
0x14: {  	[tilespmem:$0xB010] =	vst v0  }
0x15: {  	[tilespmem:$0xB020] =	vst v0  }
0x16: {  	[tilespmem:$0xB030] =	vst v0  }
0x17: {  	[tilespmem:$0xB040] =	vst v0  }
0x18: {  	[tilespmem:$0xB050] =	vst v0  }
0x19: {  	[tilespmem:$0xB060] =	vst v0  }
0x1a: {  	[tilespmem:$0xB070] =	vst v0  }
0x1b: {  	[tilespmem:$0xB080] =	vst v0  }
0x1c: {  	[tilespmem:$0xB090] =	vst v0  }
0x1d: {  	[tilespmem:$0xB0A0] =	vst v0  }
0x1e: {  	[tilespmem:$0xB0B0] =	vst v0  }
0x1f: {  	[tilespmem:$0xB0C0] =	vst v0  }
0x20: {  	[tilespmem:$0xB0D0] =	vst v0  }
0x21: {  	[tilespmem:$0xB0E0] =	vst v0  }
0x22: {  	[tilespmem:$0xB0F0] =	vst v0  }
0x23: {  	[tilespmem:$0xB100] =	vst v0  }
0x24: {  	[tilespmem:$0xB110] =	vst v0  }
0x25: {  	[tilespmem:$0xB120] =	vst v0  }
0x26: {  	[tilespmem:$0xB130] =	vst v0  }
0x27: {  	[tilespmem:$0xB140] =	vst v0  }
0x28: {  	[tilespmem:$0xB150] =	vst v0  }
0x29: {  	[tilespmem:$0xB160] =	vst v0  }
0x2a: {  	[tilespmem:$0xB170] =	vst v0  }
0x2b: {  	[tilespmem:$0xB180] =	vst v0  }
0x2c: {  	[tilespmem:$0xB190] =	vst v0  }
0x2d: {  	[tilespmem:$0xB1A0] =	vst v0  }
0x2e: {  	[tilespmem:$0xB1B0] =	vst v0  }
0x2f: {  	[tilespmem:$0xB1C0] =	vst v0  }
0x30: {  	[tilespmem:$0xB1D0] =	vst v0  }
0x31: {  	[tilespmem:$0xB1E0] =	vst v0  }
0x32: {  	[tilespmem:$0xB1F0] =	vst v0;
	s26 =	sadd.s32 $0x0, s5  }
0x33: {  	[spmem:s26] =	stream.linear.scatter [tilespmem:s10], [sflag:$0x7], $0x200, $0x38;
	[tilespmem:$0x15200] =	vst v63  }
0x34: {  	s26 =	simm.s32 $0x800;
	_ =	swait.ge [sflag:s11], $0x200  }
.LBB2_2:
0x35: {  	s28 =	sshra.s32 s26, $0x2;
	[sflag:s11] =	ssyncset.done $0x0;
	p0 =	sne.s32 s26, $0x27800  }
.Ltmp0:
0x36: {  	s28 =	sadd.s32 s28, s5;
	[sflag:s11] =	ssyncadd.s32 $0xFFFFFE00;
	(pc) =	sbr.rel @p0 .LBB2_2-.Ltmp0, $3  }
0x37: {  	[spmem:s28] =	stream.linear.scatter [tilespmem:s10], [sflag:$0x7], $0x200, $0x38;
	[tilespmem:$0x15200] =	vst v63  }
0x38: {  	s26 =	sadd.s32 $0x800, s26;
	_ =	sdelay $0x1  }
0x39: {  	_ =	swait.ge [sflag:s11], $0x200  }
0x3a: {  	[sflag:s11] =	ssyncset.done $0x0  }
0x3b: {  	s26 =	simm.s32 $0x0;
	[sflag:s11] =	ssyncadd.s32 $0xFFFFFE00  }
0x3c: {  	[tilespmem:s26], [sflag:$0x7] =	stream.linear.gather [hbm4b:s6+s26], $0x2800, $0x38;
	[tilespmem:$0x15200] =	vst v63  }
0x3d: {  	_ =	swait.ge [sflag:s11], $0x2800  }
0x3e: {  	[sflag:s11] =	ssyncset.done $0x0  }
0x3f: {  	[sflag:s11] =	ssyncadd.s32 $0xFFFFD800  }
0x40: {  	[tilespmem:s12], [sflag:$0x7] =	stream.linear.gather [hbm4b:s7+s26], $0x2800, $0x38;
	[tilespmem:$0x15200] =	vst v63  }
0x41: {  	_ =	swait.ge [sflag:s11], $0x2800  }
0x42: {  	[sflag:s11] =	ssyncset.done $0x0  }
0x43: {  	[sflag:s11] =	ssyncadd.s32 $0xFFFFD800  }
0x44: {  	s28 =	simm.s32 $0x100;
	s26 =	simm.s32 $0x0;
	[bflag:$0x0] =	sbarrier.arrive $0xFFFF  }
.LBB2_4:
0x45: {  	p0 =	sne.s32 s28, $0x7F00;
	[tilespmem:s26+$0x9030] =	vst v0;
	s29 =	smov.u32 s28;
	s28 =	sadd.s32 $0x100, s28  }
.Ltmp1:
0x46: {  	[tilespmem:s26+$0x9020] =	vst v0;
	(pc) =	sbr.rel @p0 .LBB2_4-.Ltmp1, $3  }
0x47: {  	[tilespmem:s26+$0x9000] =	vst v0  }
0x48: {  	[tilespmem:s26+$0x9010] =	vst v0;
	_ =	sdelay $0x1  }
0x49: {  	s26 =	sshra.s32 s29, $0x2  }
0x4a: {  	[tilespmem:s26+$0x9030] =	vst v0  }
0x4b: {  	[tilespmem:s26+$0x9020] =	vst v0  }
0x4c: {  	[tilespmem:s26+$0x9000] =	vst v0  }
0x4d: {  	[tilespmem:s26+$0x9010] =	vst v0;
	s29 =	simm.s32 $0x0  }
0x4e: {  	[tilespmem:s14], [sflag:$0x1] =	stream.indirect.gather [hbm4b:s1+s13], $0x40, s29, s13, $0xb8;
	[tilespmem:$0x15200] =	vst v63  }
0x4f: {  	_ = 	snop  }
0x50: {  	[tilespmem:s15], [sflag:$0x2] =	stream.indirect.gather [hbm4b:s1+s13], $0x40, s13, s13, $0xb8;
	[tilespmem:$0x15200] =	vst v63  }
0x51: {  	_ = 	snop  }
0x52: {  	[spmem:s3] =	stream.indirect.scatter.add.bf16 [tilespmem:s16], [sflag:$0x6], $0x40, s12, s13, $0xb8;
	[tilespmem:$0x15200] =	vst v63  }
0x53: {  	_ =	swait.ge [sflag:s17], $0x2000  }
0x54: {  	[sflag:s17] =	ssyncset.done $0x0  }
0x55: {  	s30 =	simm.s32 $0x2800;
	[sflag:s17] =	ssyncadd.s32 $0xFFFFE000  }
0x56: {  	[spmem:s3] =	stream.indirect.scatter.add.bf16 [tilespmem:s14], [sflag:$0x4], $0x40, s30, s13, $0xb8;
	[tilespmem:$0x15200] =	vst v63  }
0x57: {  	_ =	swait.ge [sflag:s18], $0x2000  }
0x58: {  	[sflag:s18] =	ssyncset.done $0x0  }
0x59: {  	s31 =	simm.s32 $0x100;
	[sflag:s18] =	ssyncadd.s32 $0xFFFFE000  }
0x5a: {  	[tilespmem:s16], [sflag:$0x3] =	stream.indirect.gather [hbm4b:s1+s13], $0x40, s31, s13, $0xb8;
	[tilespmem:$0x15200] =	vst v63  }
0x5b: {  	_ =	swait.ge [sflag:s19], $0x2000  }
0x5c: {  	[sflag:s19] =	ssyncset.done $0x0  }
0x5d: {  	s29 =	simm.s32 $0x2880;
	[sflag:s19] =	ssyncadd.s32 $0xFFFFE000  }
0x5e: {  	[spmem:s3] =	stream.indirect.scatter.add.bf16 [tilespmem:s15], [sflag:$0x5], $0x40, s29, s13, $0xb8;
	[tilespmem:$0x15200] =	vst v63  }
0x5f: {  	_ =	swait.ge [sflag:s20], $0x2000  }
0x60: {  	[sflag:s20] =	ssyncset.done $0x0  }
0x61: {  	s30 =	simm.s32 $0x180;
	[sflag:s20] =	ssyncadd.s32 $0xFFFFE000  }
0x62: {  	[tilespmem:s14], [sflag:$0x1] =	stream.indirect.gather [hbm4b:s1+s13], $0x40, s30, s13, $0xb8;
	[tilespmem:$0x15200] =	vst v63  }
0x63: {  	_ =	swait.ge [sflag:s21], $0x2000  }
0x64: {  	[sflag:s21] =	ssyncset.done $0x0  }
0x65: {  	s31 =	simm.s32 $0x2900;
	[sflag:s21] =	ssyncadd.s32 $0xFFFFE000  }
0x66: {  	[spmem:s3] =	stream.indirect.scatter.add.bf16 [tilespmem:s16], [sflag:$0x6], $0x40, s31, s13, $0xb8;
	[tilespmem:$0x15200] =	vst v63  }
0x67: {  	_ =	swait.ge [sflag:s22], $0x2000  }
0x68: {  	[sflag:s22] =	ssyncset.done $0x0  }
0x69: {  	s26 =	simm.s32 $0x600;
	s28 =	simm.s32 $0x200;
	[sflag:s22] =	ssyncadd.s32 $0xFFFFE000  }
.LBB2_6:
0x6a: {  	[tilespmem:s15], [sflag:$0x2] =	stream.indirect.gather [hbm4b:s1+s13], $0x40, s28, s13, $0xb8;
	[tilespmem:$0x15200] =	vst v63  }
0x6b: {  	s28 =	smov.u32 s26  }
0x6c: {  	p0 =	sne.s32 s26, $0x9600;
	s26 =	sadd.s32 $0x600, s26;
	_ =	swait.ge [sflag:s17], $0x2000  }
0x6d: {  	s28 =	sshra.s32 s28, $0x2;
	[sflag:s17] =	ssyncset.done $0x0  }
0x6e: {  	s29 =	sadd.s32 $0x2800, s28;
	[sflag:s17] =	ssyncadd.s32 $0xFFFFE000  }
0x6f: {  	[spmem:s3] =	stream.indirect.scatter.add.bf16 [tilespmem:s14], [sflag:$0x4], $0x40, s29, s13, $0xb8;
	[tilespmem:$0x15200] =	vst v63  }
0x70: {  	_ =	swait.ge [sflag:s18], $0x2000  }
0x71: {  	[sflag:s18] =	ssyncset.done $0x0  }
0x72: {  	s29 =	sadd.s32 $0x100, s28;
	[sflag:s18] =	ssyncadd.s32 $0xFFFFE000  }
0x73: {  	[tilespmem:s16], [sflag:$0x3] =	stream.indirect.gather [hbm4b:s1+s13], $0x40, s29, s13, $0xb8;
	[tilespmem:$0x15200] =	vst v63  }
0x74: {  	_ =	swait.ge [sflag:s19], $0x2000  }
0x75: {  	[sflag:s19] =	ssyncset.done $0x0  }
0x76: {  	s29 =	sadd.s32 $0x2880, s28;
	[sflag:s19] =	ssyncadd.s32 $0xFFFFE000  }
0x77: {  	[spmem:s3] =	stream.indirect.scatter.add.bf16 [tilespmem:s15], [sflag:$0x5], $0x40, s29, s13, $0xb8;
	[tilespmem:$0x15200] =	vst v63  }
0x78: {  	_ =	swait.ge [sflag:s20], $0x2000  }
0x79: {  	[sflag:s20] =	ssyncset.done $0x0  }
0x7a: {  	s29 =	sadd.s32 $0x180, s28;
	[sflag:s20] =	ssyncadd.s32 $0xFFFFE000  }
0x7b: {  	[tilespmem:s14], [sflag:$0x1] =	stream.indirect.gather [hbm4b:s1+s13], $0x40, s29, s13, $0xb8;
	[tilespmem:$0x15200] =	vst v63  }
0x7c: {  	_ =	swait.ge [sflag:s21], $0x2000  }
0x7d: {  	[sflag:s21] =	ssyncset.done $0x0  }
.Ltmp2:
0x7e: {  	s29 =	sadd.s32 $0x2900, s28;
	[sflag:s21] =	ssyncadd.s32 $0xFFFFE000;
	(pc) =	sbr.rel @p0 .LBB2_6-.Ltmp2, $4  }
0x7f: {  	[spmem:s3] =	stream.indirect.scatter.add.bf16 [tilespmem:s16], [sflag:$0x6], $0x40, s29, s13, $0xb8;
	[tilespmem:$0x15200] =	vst v63  }
0x80: {  	_ =	swait.ge [sflag:s22], $0x2000  }
0x81: {  	[sflag:s22] =	ssyncset.done $0x0  }
0x82: {  	s28 =	sadd.s32 $0x200, s28;
	[sflag:s22] =	ssyncadd.s32 $0xFFFFE000  }
0x83: {  	[tilespmem:s15], [sflag:$0x2] =	stream.indirect.gather [hbm4b:s1+s13], $0x40, s28, s13, $0xb8;
	[tilespmem:$0x15200] =	vst v63  }
0x84: {  	_ =	swait.ge [sflag:s17], $0x2000  }
0x85: {  	[sflag:s17] =	ssyncset.done $0x0  }
0x86: {  	[sflag:s17] =	ssyncadd.s32 $0xFFFFE000  }
0x87: {  	[spmem:s3] =	stream.indirect.scatter.add.bf16 [tilespmem:s14], [sflag:$0x4], $0x40, s23, s13, $0xb8;
	[tilespmem:$0x15200] =	vst v63  }
0x88: {  	_ =	swait.ge [sflag:s19], $0x2000  }
0x89: {  	[sflag:s19] =	ssyncset.done $0x0  }
0x8a: {  	[sflag:s19] =	ssyncadd.s32 $0xFFFFE000  }
0x8b: {  	[spmem:s3] =	stream.indirect.scatter.add.bf16 [tilespmem:s15], [sflag:$0x5], $0x40, s24, s13, $0xb8;
	[tilespmem:$0x15200] =	vst v63  }
0x8c: {  	_ =	swait.ge [sflag:s18], $0x2000  }
0x8d: {  	[sflag:s18] =	ssyncset.done $0x0  }
0x8e: {  	[sflag:s18] =	ssyncadd.s32 $0xFFFFE000  }
0x8f: {  	_ =	swait.ge [sflag:s20], $0x2000  }
0x90: {  	[sflag:s20] =	ssyncset.done $0x0  }
0x91: {  	[sflag:s20] =	ssyncadd.s32 $0xFFFFE000  }
0x92: {  	_ =	swait.ge [sflag:s22], $0x2000  }
0x93: {  	s4 =	sadd.s32 $0x1, s4;
	[sflag:s22] =	ssyncset.done $0x0  }
0x94: {  	s26 =	sshll.u32 s2, $0x6;
	p0 =	sne.s32 s4, s9;
	[sflag:s22] =	ssyncadd.s32 $0xFFFFE000  }
.Ltmp3:
0x95: {  	s26 =	sor.u32 $0x1C07, s26;
	[bflag:$0x0] =	sbarrier.arrive $0xFFFF;
	(pc) =	sbr.rel @p0 .LBB2_1-.Ltmp3, $4  }
0x96: {  	[hbm:s8], [sflag:s26] =	dma.local [spmem:s25], $0x1400  }
0x97: {  	_ =	swait.ge [sflag:s11], $0x1400  }
0x98: {  	[sflag:s11] =	ssyncset.done $0x0  }
0x99: {  	[sflag:s11] =	ssyncadd.s32 $0xFFFFEC00  }
0x9a: {  	_ =	sfence.sel $0x180000  }
0x9b: {  	[bflag:$0x0] =	sbarrier.arrive $0xFFFF  }
0x9c: {  	p0 =	sne.s32 s2, $0x0;
	_ =	strace $0x9000004A  }
0x9d: {  	s0 =	sadd.s32 @!p0 $0x100000, s0;
	[bflag:$0x2] =	sbarrier.arrive $0xFFFF  }
0x9e: {  	[sflag:s0] =	ssyncadd.tile.s32 @!p0 $0x1;
	_ =	shalt  }
.Lfunc_end2:
_tile_overlayer_lowered:
.L_overlay_start_2:
0x9f: {  	(tag) =	ssettag $0x2  }
0xa0: {  	s0 =	rddreg [dreg:$0x0];
	s2 =	stileid.u32  }
0xa1: {  	s1 =	rddreg [dreg:$0x1];
	p0 =	sne.s32 s2, $0x0  }
0xa2: {  	s3 =	rddreg [dreg:$0x2];
	[bflag:$0x3] =	sbarrier.arrive $0xFFFF;
	s2 =	simm.s32 @!p0 $0x1C07  }
0xa3: {  	[timem:s3], [sflag:s2] =	dma.local @!p0 [hbm:s0], s1  }
0xa4: {  	s0 =	simm.s32 @!p0 $0x7  }
0xa5: {  	_ =	swait.ge @!p0 [sflag:s0], s1  }
0xa6: {  	s1 =	ssub.s32 @!p0 $0x0, s1;
	[sflag:s0] =	ssyncset.done @!p0 $0x0  }
0xa7: {  	[sflag:s0] =	ssyncadd.s32 @!p0 s1  }
0xa8: {  	[bflag:$0x3] =	sbarrier.arrive $0xFFFF  }
0xa9: {  	_ =	shalt  }

// kernel: kernel.7.cloned.1.call-start
scs
__scs_entry_jumppad:
0x0: {  	(pc) =	sbr.rel $0x88, $3  }
0x1: {  	(tag) =	ssettag $0x0;
	lr =	simm.s32 $0x1  }
0x2: {  	[smem:$0x3F9D] =	sst lr;
	_ =	strace $0xD0000000  }
0x3: {  	_ = 	snop  }
0x4: {  	_ = 	snop  }
0x5: {  	_ = 	snop  }
0x6: {  	_ = 	snop  }
0x7: {  	_ = 	snop  }
__scs_overlays_trampoline_lowered:
0x8: {  	[smem:$0x3FAC] =	sst s0  }
0x9: {  	[smem:$0x3FAD] =	sst s1  }
0xa: {  	[smem:$0x3FAE] =	sst s2  }
0xb: {  	[smem:$0x3FAF] =	sst s3  }
0xc: {  	[smem:$0x3FB0] =	sst s4  }
0xd: {  	[smem:$0x3FB1] =	sst s5  }
0xe: {  	[smem:$0x3FB2] =	sst s6  }
0xf: {  	[smem:$0x3FB3] =	sst s7  }
0x10: {  	[smem:$0x3FB4] =	sst s8  }
0x11: {  	[smem:$0x3FB5] =	sst s9;
	s0 =	simm.s32 @!p0 $0x0  }
0x12: {  	s1 =	sld [smem:$0x3F9B];
	s0 =	simm.s32 @p0 $0x1  }
0x13: {  	[smem:$0x3FB6] =	sst s0;
	s0 =	simm.s32 @!p1 $0x0  }
0x14: {  	s2 =	sld [smem:$0x3F9A];
	s0 =	simm.s32 @p1 $0x1  }
0x15: {  	[smem:$0x3FB7] =	sst s0;
	s0 =	simm.s32 @!p2 $0x0  }
0x16: {  	s3 =	sld [smem:$0x3FDB];
	s0 =	simm.s32 @p2 $0x1  }
0x17: {  	s4 =	simm.s32 $0x1BF5;
	[smem:$0x3FB9] =	sst s0  }
0x18: {  	s0 =	sld [smem:$0x3F9C];
	_ =	swait.ge [sflag:s4], $0x0  }
0x19: {  	s7 =	sld [smem:$0x3F9D]  }
0x1a: {  	s8 =	sadd.s32 $0xFFFFE003, lr  }
0x1b: {  	s9 =	sadd.s32 $0xFFFFFEF7, lr;
	s5 =	simm.s32 $0xFFFFFFFF;
	p2 =	slt.u32 s8, $0xFFFFF086  }
0x1c: {  	p1 =	slt.u32 s9, $0xF7A;
	s5 =	simm.s32 @!p2 $0x0  }
0x1d: {  	s5 =	simm.s32 @p1 $0x1;
	p0 =	seq.s32 s7, s2  }
0x1e: {  	s7 =	smul.u32 @!p0 $0xF7A, s2;
	p2 =	seq.s32 @!p0 s5, $0x0  }
0x1f: {  	s9 =	smul.u32 $0xF7A, s1;
	s8 =	simm.s32 @!p0 $0x1BF5;
	p2 =	por !p2, p0  }
0x20: {  	[sflag:s8] =	ssyncset.s32 @!p0 $0xFFFFF086;
	s6 =	sadd.s32 @!p0 s3, s7;
	s7 =	simm.s32 @!p0 $0x108  }
0x21: {  	s3 =	sadd.s32 s3, s9;
	s6 =	sadd.s32 @!p0 $0x88, s6;
	s7 =	simm.s32 @p2 $0x1082  }
0x22: {  	[simem:s7], [sflag:s8] =	dma.local @!p0 [hbm:s6], $0xF7A  }
0x23: {  	s9 =	sor.u32 $0xD0000000, s2;
	s6 =	simm.s32 $0x108;
	_ =	swait.ge @!p0 [sflag:s8], $0x0  }
0x24: {  	s3 =	sadd.s32 $0x88, s3;
	s6 =	simm.s32 @!p1 $0x1082;
	[sflag:s4] =	ssyncset.s32 $0xFFFFF086  }
0x25: {  	[simem:s6], [sflag:s4] =	dma.local [hbm:s3], $0xF7A  }
0x26: {  	[smem:$0x3F9D] =	sst s1;
	(tag) =	ssettag s2;
	_ =	strace s9  }
0x27: {  	s1 =	sld [smem:$0x3FAD]  }
0x28: {  	s2 =	sld [smem:$0x3FAE]  }
0x29: {  	s4 =	sld [smem:$0x3FB0]  }
0x2a: {  	p0 =	seq.s32 s5, $0x0;
	s5 =	sld [smem:$0x3FB1]  }
0x2b: {  	s6 =	sld [smem:$0x3FB2]  }
0x2c: {  	s7 =	sld [smem:$0x3FB3]  }
0x2d: {  	s3 =	simm.s32 $0x108;
	s8 =	sld [smem:$0x3FB4]  }
0x2e: {  	s3 =	simm.s32 @!p0 $0x1082;
	s9 =	sld [smem:$0x3FB5]  }
0x2f: {  	lr =	sadd.s32 s0, s3;
	s0 =	sld [smem:$0x3FAC]  }
0x30: {  	s3 =	sld [smem:$0x3FAF]  }
0x31: {  	[smem:$0x3FB8] =	sst s10  }
0x32: {  	s10 =	sld [smem:$0x3FB6];
	_ =	sdelay $0x3  }
0x33: {  	p0 =	seq.s32 s10, $0x1;
	s10 =	sld [smem:$0x3FB8];
	_ =	sdelay $0x3  }
0x34: {  	[smem:$0x3FB8] =	sst s10  }
0x35: {  	s10 =	sld [smem:$0x3FB7];
	_ =	sdelay $0x3  }
0x36: {  	p1 =	seq.s32 s10, $0x1;
	s10 =	sld [smem:$0x3FB8];
	_ =	sdelay $0x3  }
0x37: {  	[smem:$0x3FB8] =	sst s10  }
0x38: {  	s10 =	sld [smem:$0x3FB9]  }
0x39: {  	_ = 	snop;
	(pc) =	sbr.ind lr, $3  }
0x3a: {  	_ = 	snop  }
0x3b: {  	_ = 	snop  }
0x3c: {  	p2 =	seq.s32 s10, $0x1;
	s10 =	sld [smem:$0x3FB8]  }
0x3d: {  	_ =	shalt  }
0x3e: {  	_ =	shalt  }
0x3f: {  	_ =	shalt  }
0x40: {  	_ =	shalt  }
0x41: {  	_ =	shalt  }
0x42: {  	_ =	shalt  }
0x43: {  	_ =	shalt  }
0x44: {  	_ =	shalt  }
0x45: {  	_ =	shalt  }
0x46: {  	_ =	shalt  }
0x47: {  	_ =	shalt  }
0x48: {  	_ =	shalt  }
0x49: {  	_ =	shalt  }
0x4a: {  	_ =	shalt  }
0x4b: {  	_ =	shalt  }
0x4c: {  	_ =	shalt  }
0x4d: {  	_ =	shalt  }
0x4e: {  	_ =	shalt  }
0x4f: {  	_ =	shalt  }
0x50: {  	_ =	shalt  }
0x51: {  	_ =	shalt  }
0x52: {  	_ =	shalt  }
0x53: {  	_ =	shalt  }
0x54: {  	_ =	shalt  }
0x55: {  	_ =	shalt  }
0x56: {  	_ =	shalt  }
0x57: {  	_ =	shalt  }
0x58: {  	_ =	shalt  }
0x59: {  	_ =	shalt  }
0x5a: {  	_ =	shalt  }
0x5b: {  	_ =	shalt  }
0x5c: {  	_ =	shalt  }
0x5d: {  	_ =	shalt  }
0x5e: {  	_ =	shalt  }
0x5f: {  	_ =	shalt  }
0x60: {  	_ =	shalt  }
0x61: {  	_ =	shalt  }
0x62: {  	_ =	shalt  }
0x63: {  	_ =	shalt  }
0x64: {  	_ =	shalt  }
0x65: {  	_ =	shalt  }
0x66: {  	_ =	shalt  }
0x67: {  	_ =	shalt  }
0x68: {  	_ =	shalt  }
0x69: {  	_ =	shalt  }
0x6a: {  	_ =	shalt  }
0x6b: {  	_ =	shalt  }
0x6c: {  	_ =	shalt  }
0x6d: {  	_ =	shalt  }
0x6e: {  	_ =	shalt  }
0x6f: {  	_ =	shalt  }
0x70: {  	_ =	shalt  }
0x71: {  	_ =	shalt  }
0x72: {  	_ =	shalt  }
0x73: {  	_ =	shalt  }
0x74: {  	_ =	shalt  }
0x75: {  	_ =	shalt  }
0x76: {  	_ =	shalt  }
0x77: {  	_ =	shalt  }
0x78: {  	_ =	shalt  }
0x79: {  	_ =	shalt  }
0x7a: {  	_ =	shalt  }
0x7b: {  	_ =	shalt  }
0x7c: {  	_ =	shalt  }
0x7d: {  	_ =	shalt  }
0x7e: {  	_ =	shalt  }
0x7f: {  	_ =	shalt  }
0x80: {  	_ =	shalt  }
0x81: {  	_ =	shalt  }
0x82: {  	_ =	shalt  }
0x83: {  	_ =	shalt  }
0x84: {  	_ =	shalt  }
0x85: {  	_ =	shalt  }
0x86: {  	_ =	shalt  }
0x87: {  	_ =	shalt  }
.Lfunc_end0:
.L_simem_size_0:
called_computation_lowered:
.L_overlay_start_0:
0x88: {  	s2 =	sld [smem:$0x3FD9]  }
0x89: {  	s3 =	sld [smem:$0x3FFE];
	_ =	sdelay $0x1  }
0x8a: {  	s1 =	srdreg.scid  }
0x8b: {  	s0 =	sand.u32 $0x1, s1  }
0x8c: {  	s16 =	sshll.u32 s0, $0xA;
	s2 =	sadd.s32 s3, s2  }
0x8d: {  	s2 =	sadd.s32 s2, s16  }
0x8e: {  	[smem:$0x3FC4] =	sst s2  }
0x8f: {  	_ = 	snop  }
0x90: {  	(tm) =	ssettm $0x1  }
0x91: {  	s17 =	sld [smem:$0x3FFB];
	_ =	sdelay $0x3  }
0x92: {  	_ =	strace s17  }
0x93: {  	s2 =	sld [smem:$0x3FFC];
	_ =	sdelay $0x3  }
0x94: {  	_ =	strace s2  }
0x95: {  	s2 =	sld [smem:$0x3FFD];
	_ =	sdelay $0x3  }
0x96: {  	_ =	strace s2  }
0x97: {  	_ =	strace $0x8FFFFFFF  }
0x98: {  	s18 =	sld [smem:$0x3FDB];
	_ =	sdelay $0x1  }
0x99: {  	s19 =	simm.s32 $_scs_section_size  }
0x9a: {  	s4 =	simm.s32 $_size__tile_overlayer_lowered;
	s5 =	simm.s32 $_tile_overlayer_lowered  }
0x9b: {  	s22 =	simm.s32 $0x1BFF;
	s21 =	sshll.u32 s5, $0x1;
	s2 =	sadd.s32 s19, s18  }
0x9c: {  	s6 =	simm.s32 $0x0;
	s20 =	sshll.u32 s4, $0x1;
	s4 =	sadd.s32 s21, s2  }
0x9d: {  	[timem:s6], [sflag:s22] =	dma.local [hbm:s4], s20  }
0x9e: {  	_ =	swait.ge [sflag:s22], s20  }
0x9f: {  	s3 =	ssub.s32 $0x0, s20;
	[sflag:s22] =	ssyncset.done $0x0  }
0xa0: {  	[sflag:s22] =	ssyncadd.s32 s3;
	_ =	sdelay $0x1  }
0xa1: {  	s23 =	simm.s32 $0x1B8B  }
0xa2: {  	_ =	swait.ge [sflag:s23], $0x1  }
0xa3: {  	[sflag:s23] =	ssyncset.done $0x0  }
0xa4: {  	s25 =	simm.s32 $0x1B8E;
	s24 =	sld [smem:$0x3FFE];
	[sflag:s23] =	ssyncadd.s32 $0xFFFFFFFF  }
0xa5: {  	s26 =	simm.s32 $execute0_lowered;
	[smem:$0x3FD2] =	sst s25  }
0xa6: {  	s4 =	sshll.u32 s26, $0x1;
	_ =	strace $0x80000046;
	[dreg:$0x1] =	wrdreg $0xFFFFFFFF  }
0xa7: {  	s28 =	simm.s32 $_size_execute0_lowered;
	s2 =	sadd.s32 s2, s4;
	[dreg:$0x0] =	wrdreg $0x0  }
0xa8: {  	s4 =	sshll.u32 s28, $0x1;
	[dreg:$0x2] =	wrdreg s2  }
0xa9: {  	[dreg:$0x3] =	wrdreg s4  }
0xaa: {  	[dreg:$0x4] =	wrdreg $0xC0  }
0xab: {  	_ =	task [dreg:s6], $0x5FFFF  }
0xac: {  	[dreg:$0x1] =	wrdreg $0xFFFFFFFF  }
0xad: {  	[dreg:$0x0] =	wrdreg $0x60  }
0xae: {  	[dreg:$0x2] =	wrdreg s24  }
0xaf: {  	[dreg:$0x3] =	wrdreg $0x7C500  }
0xb0: {  	[dreg:$0x4] =	wrdreg $0x9  }
0xb1: {  	_ =	task.clear_ibuf [dreg:s6], $0x5FFFF;
	_ =	strace $0x90000046  }
0xb2: {  	s29 =	simm.s32 $0x9;
	_ =	strace $0x80000048  }
0xb3: {  	_ =	swait.ge [sflag:s29], $0x1  }
0xb4: {  	[sflag:s29] =	ssyncadd.s32 $0xFFFFFFFF  }
0xb5: {  	_ =	strace $0x90000048  }
0xb6: {  	_ =	sfence  }
0xb7: {  	s30 =	sld [smem:$0x0];
	_ =	sdelay $0x2  }
0xb8: {  	s31 =	sshll.u32 s1, $0xD;
	s1 =	sshrl.u32 s1, $0x2  }
0xb9: {  	s3 =	sand.u32 $0x4000, s31;
	s1 =	sadd.s32 s1, s30  }
0xba: {  	s0 =	sor.u32 s3, s0;
	s1 =	sshll.u32 s1, $0x11  }
0xbb: {  	s0 =	sor.u32 s1, s0  }
0xbc: {  	s0 =	sadd.s32 $0x8F2B, s0  }
0xbd: {  	[sflag:s0] =	ssyncadd.remote.s32 $0x1  }
0xbe: {  	_ =	sfence.sel $0xFFFF  }
0xbf: {  	[dreg:$0x0] =	wrdreg $0xFFFFFFFF;
	(pc) =	sbr.abs _section_cstart, $3  }
0xc0: {  	[dreg:$0x1] =	wrdreg $0xFFFFFFFF  }
0xc1: {  	_ =	task.clear_ibuf [dreg:s6], $0x2FFFF;
	_ =	strace $0x9FFFFFFF  }
0xc2: {  	(tm) =	ssettm $0x7FFFFFFF  }
0xc3: {  	_ =	shalt  }
tec
execute0_lowered:
.L_overlay_start_1:
0x0: {  	(tag) =	ssettag $0x1  }
0x1: {  	s4 =	rddreg [dreg:$0x0]  }
0x2: {  	s2 =	rddreg [dreg:$0x1]  }
0x3: {  	s1 =	srdreg.scid;
	s0 =	rddreg [dreg:$0x2];
	s3 =	simm.s32 $0x0  }
0x4: {  	s10 =	simm.s32 $0x50;
	s11 =	simm.s32 $0x7800;
	s12 =	simm.s32 $0x5000  }
0x5: {  	s13 =	simm.s32 $0x0;
	s5 =	sand.u32 $0x1, s1;
	s1 =	stileid.u32  }
0x6: {  	[smem:$0x7FF] =	sst s3;
	s6 =	sshll.u32 s5, $0x4;
	s7 =	smul.u32 $0x2800, s5  }
0x7: {  	s8 =	sshll.u32 s1, $0xA;
	s5 =	ssub.s32 $0x2, s5;
	s6 =	sor.u32 s1, s6  }
0x8: {  	_ =	strace $0x80000047;
	s31 =	sshrl.u32 s5, $0x1;
	s6 =	smul.u32 $0x500, s6  }
0x9: {  	p0 =	sgt.u32 s1, $0x9;
	s7 =	sadd.s32 s8, s7;
	s9 =	ssub.s32 s5, s31  }
0xa: {  	v0 =	vlaneseq.u32;
	s5 =	sadd.s32 s8, s2;
	s7 =	sshrl.u32 s7, $0x3;
	s6 =	sadd.s32 s6, s4  }
0xb: {  	v1 =	vimm.f32 $0.0e+00;
	v2 =	vimm.f32 $1.000000000e+00;
	v3 =	vor.u32 $0x10, v0;
	s8 =	simm.s32 $0x1;
	s7 =	sadd.s32 s7, s4;
	s4 =	sadd.s32 $0x1A00, s6  }
0xc: {  	v4 =	vor.u32 $0x20, v0;
	v5 =	vor.u32 $0x30, v0;
	v6 =	vor.u32 $0x40, v0;
	s6 =	sadd.s32 $0x15A00, s7;
	s7 =	smax.u32 s9, $0x1;
	s9 =	simm.s32 $0x2800  }
.LBB2_1:
0xd: {  	s14 =	simm.s32 $0x40;
	s15 =	simm.s32 $0x0  }
.LBB2_2:
0xe: {  	p1 =	sne.s32 s14, $0x9FC0;
	[tilespmem:s15+$0x2800] =	vst v1;
	s15 =	smov.u32 s14;
	s14 =	sadd.s32 $0x40, s14  }
.Ltmp0:
0xf: {  	(pc) =	sbr.rel @p1 .LBB2_2-.Ltmp0, $2  }
0x10: {  	_ =	sdelay $0x2  }
0x11: {  	s15 =	sshra.s32 s15, $0x2  }
0x12: {  	[tilespmem:s15+$0x2800] =	vst v1  }
0x13: {  	[tilespmem:s3], [sflag:$0x1] =	stream.linear.gather [hbm4b:s4+s3], $0x2800, $0x38;
	[tilespmem:$0x7ED0] =	vst v63  }
0x14: {  	_ =	swait.ge [sflag:s8], $0x2800  }
0x15: {  	[sflag:s8] =	ssyncset.done $0x0  }
0x16: {  	s14 =	simm.s32 $0x1C0;
	[sflag:s8] =	ssyncadd.s32 $0xFFFFD800  }
.LBB2_4:
0x17: {  	s15 =	sshra.s32 s14, $0x2  }
0x18: {  	v7 =	vld [tilespmem:s15+$0xFFFFFF90];
	_ =	sdelay $0x7  }
0x19: {  	[tilespmem:v7+s9+$0x0] =	vst.idx.add.f32.msk $0xffff, v2  }
0x1a: {  	v7 =	vld [tilespmem:s15+$0xFFFFFFA0];
	_ =	sdelay $0x7  }
0x1b: {  	[tilespmem:v7+s9+$0x0] =	vst.idx.add.f32.msk $0xffff, v2  }
0x1c: {  	v7 =	vld [tilespmem:s15+$0xFFFFFFB0];
	_ =	sdelay $0x7  }
0x1d: {  	[tilespmem:v7+s9+$0x0] =	vst.idx.add.f32.msk $0xffff, v2  }
0x1e: {  	v7 =	vld [tilespmem:s15+$0xFFFFFFC0];
	_ =	sdelay $0x7  }
0x1f: {  	[tilespmem:v7+s9+$0x0] =	vst.idx.add.f32.msk $0xffff, v2  }
0x20: {  	v7 =	vld [tilespmem:s15+$0xFFFFFFD0];
	_ =	sdelay $0x7  }
0x21: {  	[tilespmem:v7+s9+$0x0] =	vst.idx.add.f32.msk $0xffff, v2  }
0x22: {  	v7 =	vld [tilespmem:s15+$0xFFFFFFE0];
	_ =	sdelay $0x7  }
0x23: {  	[tilespmem:v7+s9+$0x0] =	vst.idx.add.f32.msk $0xffff, v2  }
0x24: {  	v7 =	vld [tilespmem:s15+$0xFFFFFFF0];
	_ =	sdelay $0x7  }
0x25: {  	[tilespmem:v7+s9+$0x0] =	vst.idx.add.f32.msk $0xffff, v2  }
0x26: {  	v7 =	vld [tilespmem:s15+$0x0];
	_ =	sdelay $0x2  }
0x27: {  	p1 =	sne.s32 s14, $0x9FC0  }
.Ltmp1:
0x28: {  	_ = 	snop;
	(pc) =	sbr.rel @p1 .LBB2_4-.Ltmp1, $2  }
0x29: {  	_ =	sdelay $0x2  }
0x2a: {  	s14 =	sadd.s32 $0x200, s14;
	[tilespmem:v7+s9+$0x0] =	vst.idx.add.f32.msk $0xffff, v2  }
0x2b: {  	s14 =	simm.s32 $0x0  }
0x2c: {  	v10 =	vld [tilespmem:s14+$0x2870]  }
0x2d: {  	v11 =	vld [tilespmem:s14+$0x2800]  }
0x2e: {  	v12 =	vld [tilespmem:s14+$0x2810]  }
0x2f: {  	v9 =	vld [tilespmem:s14+$0x2820]  }
0x30: {  	v7 =	vld [tilespmem:s14+$0x2830]  }
0x31: {  	v8 =	vld [tilespmem:s14+$0x2840];
	[tilespmem:s14+$0x5070] =	vst v10  }
0x32: {  	[tilespmem:s14+$0x5000] =	vst v11;
	v10 =	vld [tilespmem:s14+$0x2850]  }
0x33: {  	s15 =	simm.s32 $0x80;
	s16 =	simm.s32 $0x400;
	[tilespmem:s14+$0x5010] =	vst v12;
	v11 =	vld [tilespmem:s14+$0x2860]  }
.LBB2_6:
0x34: {  	p1 =	sne.s32 s16, $0x9E00;
	v12 =	vld [tilespmem:s15+$0x2870];
	[tilespmem:s14+$0x5020] =	vst v9  }
0x35: {  	v13 =	vld [tilespmem:s15+$0x2800];
	[tilespmem:s14+$0x5030] =	vst v7  }
0x36: {  	v14 =	vld [tilespmem:s15+$0x2810];
	[tilespmem:s14+$0x5040] =	vst v8  }
.Ltmp2:
0x37: {  	v9 =	vld [tilespmem:s15+$0x2820];
	[tilespmem:s14+$0x5050] =	vst v10;
	(pc) =	sbr.rel @p1 .LBB2_6-.Ltmp2, $4  }
0x38: {  	v7 =	vld [tilespmem:s15+$0x2830];
	[tilespmem:s14+$0x5060] =	vst v11;
	s14 =	smov.u32 s15  }
0x39: {  	v8 =	vld [tilespmem:s14+$0x2840];
	[tilespmem:s14+$0x5070] =	vst v12  }
0x3a: {  	[tilespmem:s14+$0x5000] =	vst v13;
	v10 =	vld [tilespmem:s14+$0x2850]  }
0x3b: {  	s15 =	sshra.s32 s16, $0x2;
	s16 =	sadd.s32 $0x200, s16;
	[tilespmem:s14+$0x5010] =	vst v14;
	v11 =	vld [tilespmem:s14+$0x2860]  }
0x3c: {  	v12 =	vld [tilespmem:s15+$0x2870];
	[tilespmem:s14+$0x5020] =	vst v9  }
0x3d: {  	v9 =	vld [tilespmem:s15+$0x2800];
	[tilespmem:s14+$0x5030] =	vst v7  }
0x3e: {  	v7 =	vld [tilespmem:s15+$0x2810];
	[tilespmem:s14+$0x5040] =	vst v8  }
0x3f: {  	v8 =	vld [tilespmem:s15+$0x2820];
	[tilespmem:s14+$0x5050] =	vst v10  }
0x40: {  	v10 =	vld [tilespmem:s15+$0x2830];
	[tilespmem:s14+$0x5060] =	vst v11  }
0x41: {  	v11 =	vld [tilespmem:s15+$0x2840];
	[tilespmem:s15+$0x5070] =	vst v12  }
0x42: {  	v63 =	vld [tilespmem:s15+$0x2850];
	[tilespmem:s15+$0x5000] =	vst v9  }
0x43: {  	[tilespmem:s15+$0x5010] =	vst v7;
	v7 =	vld [tilespmem:s15+$0x2860]  }
0x44: {  	[tilespmem:s15+$0x5020] =	vst v8  }
0x45: {  	[tilespmem:s15+$0x5030] =	vst v10  }
0x46: {  	[tilespmem:s15+$0x5040] =	vst v11  }
0x47: {  	[tilespmem:s15+$0x5050] =	vst v63  }
0x48: {  	[tilespmem:s15+$0x5060] =	vst v7  }
0x49: {  	[tilespmem:$0x7850] =	vst v1  }
0x4a: {  	[tilespmem:$0x7860] =	vst v1  }
0x4b: {  	[tilespmem:$0x7870] =	vst v1  }
0x4c: {  	[tilespmem:$0x7880] =	vst v1  }
0x4d: {  	[tilespmem:$0x7890] =	vst v1  }
0x4e: {  	[tilespmem:$0x78A0] =	vst v1  }
0x4f: {  	[tilespmem:$0x78B0] =	vst v1  }
0x50: {  	[tilespmem:$0x78C0] =	vst v1  }
0x51: {  	[tilespmem:$0x78D0] =	vst v1  }
0x52: {  	[tilespmem:$0x78E0] =	vst v1  }
0x53: {  	[tilespmem:$0x78F0] =	vst v1  }
0x54: {  	[tilespmem:$0x7900] =	vst v1  }
0x55: {  	[tilespmem:$0x7910] =	vst v1  }
0x56: {  	[tilespmem:$0x7920] =	vst v1  }
0x57: {  	[tilespmem:$0x7930] =	vst v1  }
0x58: {  	[tilespmem:$0x7940] =	vst v1  }
0x59: {  	[tilespmem:$0x7950] =	vst v1  }
0x5a: {  	[tilespmem:$0x7960] =	vst v1  }
0x5b: {  	[tilespmem:$0x7970] =	vst v1  }
0x5c: {  	[tilespmem:$0x7980] =	vst v1  }
0x5d: {  	[tilespmem:$0x7990] =	vst v1  }
0x5e: {  	[tilespmem:$0x79A0] =	vst v1  }
0x5f: {  	[tilespmem:$0x79B0] =	vst v1  }
0x60: {  	[tilespmem:$0x79C0] =	vst v1  }
0x61: {  	[tilespmem:$0x79D0] =	vst v1  }
0x62: {  	[tilespmem:$0x79E0] =	vst v1  }
0x63: {  	[tilespmem:$0x79F0] =	vst v1  }
0x64: {  	[tilespmem:$0x7A00] =	vst v1  }
0x65: {  	[tilespmem:$0x7A10] =	vst v1  }
0x66: {  	[tilespmem:$0x7A20] =	vst v1  }
0x67: {  	[tilespmem:$0x7A30] =	vst v1  }
0x68: {  	[tilespmem:$0x7A40] =	vst v1  }
0x69: {  	[tilespmem:$0x7A50] =	vst v1  }
0x6a: {  	[tilespmem:$0x7A60] =	vst v1  }
0x6b: {  	[tilespmem:$0x7A70] =	vst v1  }
0x6c: {  	[tilespmem:$0x7A80] =	vst v1  }
0x6d: {  	[tilespmem:$0x7A90] =	vst v1  }
0x6e: {  	[tilespmem:$0x7AA0] =	vst v1  }
0x6f: {  	[tilespmem:$0x7AB0] =	vst v1  }
0x70: {  	[tilespmem:$0x7AC0] =	vst v1  }
0x71: {  	[tilespmem:$0x7AD0] =	vst v1  }
0x72: {  	[tilespmem:$0x7AE0] =	vst v1  }
0x73: {  	[tilespmem:$0x7AF0] =	vst v1  }
0x74: {  	[tilespmem:$0x7B00] =	vst v1  }
0x75: {  	[tilespmem:$0x7B10] =	vst v1  }
0x76: {  	[tilespmem:$0x7B20] =	vst v1  }
0x77: {  	[tilespmem:$0x7B30] =	vst v1  }
0x78: {  	[tilespmem:$0x7B40] =	vst v1  }
0x79: {  	[tilespmem:$0x7B50] =	vst v1  }
0x7a: {  	[tilespmem:$0x7B60] =	vst v1  }
0x7b: {  	[tilespmem:$0x7B70] =	vst v1  }
0x7c: {  	[tilespmem:$0x7B80] =	vst v1  }
0x7d: {  	[tilespmem:$0x7B90] =	vst v1  }
0x7e: {  	[tilespmem:$0x7BA0] =	vst v1  }
0x7f: {  	[tilespmem:$0x7BB0] =	vst v1  }
0x80: {  	[tilespmem:$0x7BC0] =	vst v1  }
0x81: {  	[tilespmem:$0x7BD0] =	vst v1  }
0x82: {  	[tilespmem:$0x7BE0] =	vst v1  }
0x83: {  	[tilespmem:$0x7BF0] =	vst v1  }
0x84: {  	[tilespmem:$0x7C00] =	vst v1  }
0x85: {  	[tilespmem:$0x7C10] =	vst v1  }
0x86: {  	[tilespmem:$0x7C20] =	vst v1  }
0x87: {  	[tilespmem:$0x7C30] =	vst v1  }
0x88: {  	s14 =	simm.s32 @!p0 $0x7850;
	s15 =	simm.s32 @!p0 $0x1;
	[tilespmem:$0x7C40] =	vst v1  }
0x89: {  	[spmem:s5] =	stream.linear.scatter @!p0 [tilespmem:s14], [sflag:$0x1], $0x400, $0x38;
	[tilespmem:$0x7ED0] =	vst v63  }
0x8a: {  	_ =	swait.ge @!p0 [sflag:s15], $0x400  }
0x8b: {  	[sflag:s15] =	ssyncset.done @!p0 $0x0  }
0x8c: {  	[sflag:s15] =	ssyncadd.s32 @!p0 $0xFFFFFC00  }
0x8d: {  	[tilespmem:$0x7800] =	vst v0  }
0x8e: {  	[tilespmem:$0x7810] =	vst v3  }
0x8f: {  	[tilespmem:$0x7820] =	vst v4  }
0x90: {  	[tilespmem:$0x7830] =	vst v5  }
0x91: {  	[tilespmem:$0x7840] =	vst v6  }
0x92: {  	[bflag:$0x0] =	sbarrier.arrive $0xFFFF  }
0x93: {  	[spmem:s2] =	stream.indirect.scatter.add.f32 [tilespmem:s12], [sflag:$0x1], $0x80, s11, s10, $0xb8;
	[tilespmem:$0x7ED0] =	vst v63  }
0x94: {  	_ =	swait.ge [sflag:s8], $0x2800  }
0x95: {  	[sflag:s8] =	ssyncset.done $0x0  }
0x96: {  	[sflag:s8] =	ssyncadd.s32 $0xFFFFD800  }
0x97: {  	[bflag:$0x0] =	sbarrier.arrive $0xFFFF  }
0x98: {  	[tilespmem:s14], [sflag:$0x1] =	stream.linear.gather @!p0 [spmem:s5], $0x400, $0x38;
	[tilespmem:$0x7ED0] =	vst v63  }
0x99: {  	s13 =	sadd.s32 $0x1, s13;
	_ =	swait.ge @!p0 [sflag:s15], $0x400  }
0x9a: {  	p1 =	sne.s32 s13, s7;
	[sflag:s15] =	ssyncset.done @!p0 $0x0  }
.Ltmp3:
0x9b: {  	s16 =	simm.s32 @!p0 $0x0;
	[sflag:s15] =	ssyncadd.s32 @!p0 $0xFFFFFC00;
	(pc) =	sbr.rel @p1 .LBB2_1-.Ltmp3, $4  }
0x9c: {  	[hbm4b:s6+s16] =	stream.linear.scatter @!p0 [tilespmem:s14], [sflag:$0x1], $0x400, $0x38;
	[tilespmem:$0x7ED0] =	vst v63  }
0x9d: {  	_ =	swait.ge @!p0 [sflag:s15], $0x400  }
0x9e: {  	[sflag:s15] =	ssyncset.done @!p0 $0x0  }
0x9f: {  	[sflag:s15] =	ssyncadd.s32 @!p0 $0xFFFFFC00  }
0xa0: {  	_ =	sfence.sel $0x180000  }
0xa1: {  	[bflag:$0x0] =	sbarrier.arrive $0xFFFF  }
0xa2: {  	p0 =	sne.s32 s1, $0x0;
	_ =	strace $0x90000047  }
0xa3: {  	s0 =	sadd.s32 @!p0 $0x100000, s0;
	[bflag:$0x2] =	sbarrier.arrive $0xFFFF  }
0xa4: {  	[sflag:s0] =	ssyncadd.tile.s32 @!p0 $0x1;
	_ =	shalt  }
.Lfunc_end2:
_tile_overlayer_lowered:
.L_overlay_start_2:
0xa5: {  	(tag) =	ssettag $0x2  }
0xa6: {  	s0 =	rddreg [dreg:$0x0];
	s2 =	stileid.u32  }
0xa7: {  	s1 =	rddreg [dreg:$0x1];
	p0 =	sne.s32 s2, $0x0  }
0xa8: {  	s3 =	rddreg [dreg:$0x2];
	[bflag:$0x3] =	sbarrier.arrive $0xFFFF;
	s2 =	simm.s32 @!p0 $0x1C01  }
0xa9: {  	[timem:s3], [sflag:s2] =	dma.local @!p0 [hbm:s0], s1  }
0xaa: {  	s0 =	simm.s32 @!p0 $0x1  }
0xab: {  	_ =	swait.ge @!p0 [sflag:s0], s1  }
0xac: {  	s1 =	ssub.s32 @!p0 $0x0, s1;
	[sflag:s0] =	ssyncset.done @!p0 $0x0  }
0xad: {  	[sflag:s0] =	ssyncadd.s32 @!p0 s1  }
0xae: {  	[bflag:$0x3] =	sbarrier.arrive $0xFFFF  }
0xaf: {  	_ =	shalt  }

</sc_bundles>
